<compile_context>
chip_gen: v7x
topology: tpu7x:2x2x1
jax: 0.10.2.dev20260603
libtpu: 0.0.44.dev20260713+nightly
codegen_flags: <defaults>
</compile_context>

<pallas_src>
import functools

import jax
import jax.numpy as jnp
from jax import lax
from jax.experimental import pallas as pl
from jax.experimental.pallas import tpu as pltpu
from jax.experimental.pallas import tpu_sc as plsc

_NUM_SAMPLES = 1024
_NUM_SEG = 9
_FEAT = 3072
_NUM_CLASSES = 20
_NLANE = 16
_NWORK = 32
_PPW = _NUM_SAMPLES // _NWORK

_DN = (((1,), (1,)), ((), ()))


def _dot_t(a, w):
    return jax.lax.dot_general(a, w, _DN, preferred_element_type=jnp.float32)



def _sc_pool_kernel(x_hbm, out_hbm, xv, ob, isems, osems):
    F = _FEAT
    wid = lax.axis_index("s") * 2 + lax.axis_index("c")
    base = wid * _PPW

    def copy_in(i, slot):
        return pltpu.make_async_copy(
            x_hbm.at[pl.ds((base + i) * _NUM_SEG, _NUM_SEG)],
            xv.at[slot], isems.at[slot])

    def copy_out(i, slot):
        return pltpu.make_async_copy(
            ob.at[slot], out_hbm.at[base + i], osems.at[slot])

    copy_in(0, 0).start()
    copy_in(1, 1).start()

    def pool_one(i, slot):
        copy_in(i, slot).wait()

        @pl.when(i >= 2)
        def _():
            copy_out(i - 2, slot).wait()

        def feat(j, _):
            o = j * _NLANE
            sv = [xv[slot, s, pl.ds(o, _NLANE)] for s in range(_NUM_SEG)]
            s0 = (sv[0] + sv[1]) * 0.5
            cs = (sv[2] + sv[3] + sv[4] + sv[5] + sv[6]) * 0.2
            en = (sv[7] + sv[8]) * 0.5
            ob[slot, pl.ds(o, _NLANE)] = s0
            ob[slot, pl.ds(F + o, _NLANE)] = cs
            ob[slot, pl.ds(2 * F + o, _NLANE)] = en
            return ()

        lax.fori_loop(0, F // _NLANE, feat, (), unroll=4)
        copy_out(i, slot).start()

        @pl.when(i + 2 < _PPW)
        def _():
            copy_in(i + 2, slot).start()

    def body(k, _):
        pool_one(2 * k, 0)
        pool_one(2 * k + 1, 1)
        return ()

    lax.fori_loop(0, _PPW // 2, body, ())
    copy_out(_PPW - 2, 0).wait()
    copy_out(_PPW - 1, 1).wait()


@jax.jit
def _sc_pool(x):
    mesh = plsc.VectorSubcoreMesh(core_axis_name="c", subcore_axis_name="s")
    kfn = functools.partial(
        pl.kernel, mesh=mesh,
        out_type=jax.ShapeDtypeStruct((_NUM_SAMPLES, 3 * _FEAT), jnp.float32),
        scratch_types=[
            pltpu.VMEM((2, _NUM_SEG, _FEAT), jnp.float32),
            pltpu.VMEM((2, 3 * _FEAT), jnp.float32),
            pltpu.SemaphoreType.DMA((2,)),
            pltpu.SemaphoreType.DMA((2,)),
        ],
        compiler_params=pltpu.CompilerParams(use_tc_tiling_on_sc=False),
    )(_sc_pool_kernel)
    return kfn(x)



def _tc_dots_kernel(p_ref, sf_ref, wa_ref, ba_ref, wc_ref, bc_ref,
                    wr_ref, br_ref, act_ref, comp_ref, reg_ref):
    F = _FEAT
    sf = sf_ref[...]
    start = p_ref[:, 0:F] * sf[:, 0:1]
    course = p_ref[:, F:2 * F]
    end = p_ref[:, 2 * F:3 * F] * sf[:, 1:2]
    act_ref[...] = _dot_t(course, wa_ref[...]) + ba_ref[...]
    comp_ref[...] = (_dot_t(start, wc_ref[:, 0:F])
                     + _dot_t(course, wc_ref[:, F:2 * F])
                     + _dot_t(end, wc_ref[:, 2 * F:3 * F]) + bc_ref[...])
    reg_ref[...] = (_dot_t(start, wr_ref[:, 0:F])
                    + _dot_t(course, wr_ref[:, F:2 * F])
                    + _dot_t(end, wr_ref[:, 2 * F:3 * F]) + br_ref[...])


@functools.partial(jax.jit, static_argnames=("block",))
def _tc_dots(pooled, sf, W_act, b_act, W_comp, b_comp, W_reg, b_reg, block=128):
    grid = _NUM_SAMPLES // block
    nw = lambda i: (0, 0)
    outs = pl.pallas_call(
        _tc_dots_kernel,
        grid=(grid,),
        in_specs=[
            pl.BlockSpec((block, 3 * _FEAT), lambda i: (i, 0)),
            pl.BlockSpec((block, 2), lambda i: (i, 0)),
            pl.BlockSpec(W_act.shape, nw),
            pl.BlockSpec(b_act.shape, nw),
            pl.BlockSpec(W_comp.shape, nw),
            pl.BlockSpec(b_comp.shape, nw),
            pl.BlockSpec(W_reg.shape, nw),
            pl.BlockSpec(b_reg.shape, nw),
        ],
        out_specs=[
            pl.BlockSpec((block, _NUM_CLASSES + 1), lambda i: (i, 0)),
            pl.BlockSpec((block, _NUM_CLASSES), lambda i: (i, 0)),
            pl.BlockSpec((block, _NUM_CLASSES * 2), lambda i: (i, 0)),
        ],
        out_shape=[
            jax.ShapeDtypeStruct((_NUM_SAMPLES, _NUM_CLASSES + 1), jnp.float32),
            jax.ShapeDtypeStruct((_NUM_SAMPLES, _NUM_CLASSES), jnp.float32),
            jax.ShapeDtypeStruct((_NUM_SAMPLES, _NUM_CLASSES * 2), jnp.float32),
        ],
    )(pooled, sf, W_act, b_act, W_comp, b_comp, W_reg, b_reg)
    return outs


def kernel(x, scale_factors, W_act, b_act, W_comp, b_comp, W_reg, b_reg):
    pooled = _sc_pool(x)
    act, comp, reg = _tc_dots(pooled, scale_factors,
                              W_act, b_act.reshape(1, -1),
                              W_comp, b_comp.reshape(1, -1),
                              W_reg, b_reg.reshape(1, -1))
    return (act, comp, reg.reshape(-1, _NUM_CLASSES, 2))

# --- scband reference (transcript-rebuilt; emitter-appended) ---
"""Pipeline reference for scband-ssnhead-75179107549593 (READ-ONLY COPY).

The authoritative reference and input builder live on the scoring server;
editing this copy changes nothing except your own understanding.
"""

import jax, jax.numpy as jnp
import numpy as np

NUM_SAMPLES = 1024
NUM_SEG = 9  # num_seg=(2,5,2)
FEAT = 3072
NUM_CLASSES = 20
INIT_STD = 0.001


def setup_inputs(seed: int = 0) -> dict:
    key = jax.random.key(seed)
    ks = jax.random.split(key, 8)
    x = jax.random.normal(ks[0], (NUM_SAMPLES * NUM_SEG, FEAT), dtype=jnp.float32)
    scale_factors = jax.random.uniform(ks[1], (NUM_SAMPLES, 2), dtype=jnp.float32)
    # learned params per init_kwargs: activity fc (in=3072), completeness/reg fc (in=3*3072)
    W_act = jax.random.normal(ks[2], (NUM_CLASSES + 1, FEAT), dtype=jnp.float32) * INIT_STD
    b_act = jnp.zeros((NUM_CLASSES + 1,), dtype=jnp.float32)
    W_comp = jax.random.normal(ks[3], (NUM_CLASSES, 3 * FEAT), dtype=jnp.float32) * INIT_STD
    b_comp = jnp.zeros((NUM_CLASSES,), dtype=jnp.float32)
    W_reg = jax.random.normal(ks[4], (NUM_CLASSES * 2, 3 * FEAT), dtype=jnp.float32) * INIT_STD
    b_reg = jnp.zeros((NUM_CLASSES * 2,), dtype=jnp.float32)
    return {"x": x, "scale_factors": scale_factors, "W_act": W_act, "b_act": b_act,
            "W_comp": W_comp, "b_comp": b_comp, "W_reg": W_reg, "b_reg": b_reg}


def reference(x, scale_factors, W_act, b_act, W_comp, b_comp, W_reg, b_reg):
    # STPPTrain consensus: stpp_stage=(1,1,1), num_segments_list=(2,5,2),
    # with_standalong_classifier=True. Dropout is identity at inference.
    xr = x.reshape(-1, NUM_SEG, FEAT)
    sf = scale_factors.reshape(-1, 2)
    # starting stage: segments [0:2], 1 part, multiplier 1, scaled by sf[:,0]
    start_feat = jnp.mean(xr[:, 0:2, :], axis=1) * sf[:, 0:1]
    # course stage: segments [2:7], 1 part, multiplier 1, no scaling
    course_feat = jnp.mean(xr[:, 2:7, :], axis=1)
    # ending stage: segments [7:9], 1 part, multiplier 1, scaled by sf[:,1]
    end_feat = jnp.mean(xr[:, 7:9, :], axis=1) * sf[:, 1:2]
    stpp_feat = jnp.concatenate([start_feat, course_feat, end_feat], axis=1)
    # standalong classifier: activity branch uses course-stage mean feature
    activity_feat = course_feat
    activity_scores = activity_feat @ W_act.T + b_act
    complete_scores = stpp_feat @ W_comp.T + b_comp
    bbox_preds = (stpp_feat @ W_reg.T + b_reg).reshape(-1, NUM_CLASSES, 2)
    return (activity_scores, complete_scores, bbox_preds)

if __name__ == "__main__":
    import jax
    _d = setup_inputs()
    print(jax.jit(kernel)(*tuple(_d.values())))

</pallas_src>

<mosaic_0001>
#map = affine_map<(d0, d1) -> (0, 0)>
module attributes {stable_mosaic.version = 14 : i64} {
  func.func @_sc_pool_kernel(%arg0: i32, %arg1: i32, %arg2: memref<9216x3072xf32, #tpu.memory_space<hbm>>, %arg3: memref<1024x9216xf32, #tpu.memory_space<hbm>>, %arg4: memref<2x9x3072xf32, #tpu.memory_space<vmem>>, %arg5: memref<2x9216xf32, #tpu.memory_space<vmem>>, %arg6: memref<2x!tpu.dma_semaphore, #tpu.memory_space<semaphore_mem>>, %arg7: memref<2x!tpu.dma_semaphore, #tpu.memory_space<semaphore_mem>>) attributes {dimension_semantics = [#tpu.dimension_semantics<core_parallel>, #tpu.dimension_semantics<subcore_parallel>], iteration_bounds = array<i64: 2, 16>, scalar_prefetch = 0 : i64, scratch_operands = 4 : i64, tpu.core_type = #tpu.core_type<sc_vector_subcore>, window_params = [{transform_indices = #map}, {transform_indices = #map}]} {
    %mul3A = arith.constant 2 : i32
    %mul3A_0 = arith.muli %arg1, %mul3A : i32
    %add3A = arith.addi %mul3A_0, %arg0 : i32
    %mul3A_1 = arith.constant 32 : i32
    %mul3A_2 = arith.muli %add3A, %mul3A_1 : i32
    %add3A_3 = arith.constant 0 : i32
    %add3A_4 = arith.addi %mul3A_2, %add3A_3 : i32
    %mul3A_5 = arith.constant 9 : i32
    %mul3A_6 = arith.muli %add3A_4, %mul3A_5 : i32
    %dma_start3A = arith.constant 0 : i32
    %dma_start3A_7 = arith.constant 0 : i32
    %dma_start3A_8 = arith.constant 0 : i32
    %dma_start3A_9 = arith.constant 0 : i32
    %dma_start3A_10 = tpu.memref_slice %arg4[%dma_start3A, %dma_start3A_8, %dma_start3A_9] : memref<2x9x3072xf32, #tpu.memory_space<vmem>> -> memref<1x9x3072xf32, #tpu.memory_space<vmem>>
    %dma_start3A_11 = tpu.memref_squeeze %dma_start3A_10 : memref<1x9x3072xf32, #tpu.memory_space<vmem>> -> memref<9x3072xf32, #tpu.memory_space<vmem>>
    %dma_start3A_12 = arith.constant 0 : i32
    %dma_start3A_13 = tpu.memref_slice %arg2[%mul3A_6, %dma_start3A_12] : memref<9216x3072xf32, #tpu.memory_space<hbm>> -> memref<9x3072xf32, #tpu.memory_space<hbm>>
    %dma_start3A_14 = tpu.memref_slice %arg6[%dma_start3A_7] : memref<2x!tpu.dma_semaphore, #tpu.memory_space<semaphore_mem>> -> memref<1x!tpu.dma_semaphore, #tpu.memory_space<semaphore_mem>>
    %dma_start3A_15 = tpu.memref_squeeze %dma_start3A_14 : memref<1x!tpu.dma_semaphore, #tpu.memory_space<semaphore_mem>> -> memref<!tpu.dma_semaphore, #tpu.memory_space<semaphore_mem>>
    %dma_start3A_16 = arith.constant 0 : i32
    %dma_start3A_17 = arith.constant 0 : i32
    %dma_start3A_18 = tpu.memref_slice %arg4[%dma_start3A, %dma_start3A_16, %dma_start3A_17] : memref<2x9x3072xf32, #tpu.memory_space<vmem>> -> memref<1x9x3072xf32, #tpu.memory_space<vmem>>
    %dma_start3A_19 = tpu.memref_squeeze %dma_start3A_18 : memref<1x9x3072xf32, #tpu.memory_space<vmem>> -> memref<9x3072xf32, #tpu.memory_space<vmem>>
    %dma_start3A_20 = arith.constant 0 : i32
    %dma_start3A_21 = tpu.memref_slice %arg2[%mul3A_6, %dma_start3A_20] : memref<9216x3072xf32, #tpu.memory_space<hbm>> -> memref<9x3072xf32, #tpu.memory_space<hbm>>
    tpu.enqueue_dma source(%dma_start3A_21 : memref<9x3072xf32, #tpu.memory_space<hbm>>) target(%dma_start3A_19 : memref<9x3072xf32, #tpu.memory_space<vmem>>) target_semaphore(%dma_start3A_15 : memref<!tpu.dma_semaphore, #tpu.memory_space<semaphore_mem>>)
    %add3A_22 = arith.constant 1 : i32
    %add3A_23 = arith.addi %mul3A_2, %add3A_22 : i32
    %mul3A_24 = arith.constant 9 : i32
    %mul3A_25 = arith.muli %add3A_23, %mul3A_24 : i32
    %dma_start3A_26 = arith.constant 1 : i32
    %dma_start3A_27 = arith.constant 1 : i32
    %dma_start3A_28 = arith.constant 0 : i32
    %dma_start3A_29 = arith.constant 0 : i32
    %dma_start3A_30 = tpu.memref_slice %arg4[%dma_start3A_26, %dma_start3A_28, %dma_start3A_29] : memref<2x9x3072xf32, #tpu.memory_space<vmem>> -> memref<1x9x3072xf32, #tpu.memory_space<vmem>>
    %dma_start3A_31 = tpu.memref_squeeze %dma_start3A_30 : memref<1x9x3072xf32, #tpu.memory_space<vmem>> -> memref<9x3072xf32, #tpu.memory_space<vmem>>
    %dma_start3A_32 = arith.constant 0 : i32
    %dma_start3A_33 = tpu.memref_slice %arg2[%mul3A_25, %dma_start3A_32] : memref<9216x3072xf32, #tpu.memory_space<hbm>> -> memref<9x3072xf32, #tpu.memory_space<hbm>>
    %dma_start3A_34 = tpu.memref_slice %arg6[%dma_start3A_27] : memref<2x!tpu.dma_semaphore, #tpu.memory_space<semaphore_mem>> -> memref<1x!tpu.dma_semaphore, #tpu.memory_space<semaphore_mem>>
    %dma_start3A_35 = tpu.memref_squeeze %dma_start3A_34 : memref<1x!tpu.dma_semaphore, #tpu.memory_space<semaphore_mem>> -> memref<!tpu.dma_semaphore, #tpu.memory_space<semaphore_mem>>
    %dma_start3A_36 = arith.constant 0 : i32
    %dma_start3A_37 = arith.constant 0 : i32
    %dma_start3A_38 = tpu.memref_slice %arg4[%dma_start3A_26, %dma_start3A_36, %dma_start3A_37] : memref<2x9x3072xf32, #tpu.memory_space<vmem>> -> memref<1x9x3072xf32, #tpu.memory_space<vmem>>
    %dma_start3A_39 = tpu.memref_squeeze %dma_start3A_38 : memref<1x9x3072xf32, #tpu.memory_space<vmem>> -> memref<9x3072xf32, #tpu.memory_space<vmem>>
    %dma_start3A_40 = arith.constant 0 : i32
    %dma_start3A_41 = tpu.memref_slice %arg2[%mul3A_25, %dma_start3A_40] : memref<9216x3072xf32, #tpu.memory_space<hbm>> -> memref<9x3072xf32, #tpu.memory_space<hbm>>
    tpu.enqueue_dma source(%dma_start3A_41 : memref<9x3072xf32, #tpu.memory_space<hbm>>) target(%dma_start3A_39 : memref<9x3072xf32, #tpu.memory_space<vmem>>) target_semaphore(%dma_start3A_35 : memref<!tpu.dma_semaphore, #tpu.memory_space<semaphore_mem>>)
    %scan3A = arith.constant 0 : i32
    %scan3A_42 = arith.constant 16 : i32
    %scan3A_43 = arith.addi %scan3A, %scan3A_42 : i32
    %scan3A_44 = arith.constant 1 : i32
    scf.for %scan3A_81 = %scan3A to %scan3A_43 step %scan3A_44  : i32 {
      %mul3A_82 = arith.constant 2 : i32
      %mul3A_83 = arith.muli %mul3A_82, %scan3A_81 : i32
      %add3A_84 = arith.addi %mul3A_2, %mul3A_83 : i32
      %mul3A_85 = arith.constant 9 : i32
      %mul3A_86 = arith.muli %add3A_84, %mul3A_85 : i32
      %dma_wait3A_87 = arith.constant 0 : i32
      %dma_wait3A_88 = arith.constant 0 : i32
      %dma_wait3A_89 = arith.constant 0 : i32
      %dma_wait3A_90 = arith.constant 0 : i32
      %dma_wait3A_91 = tpu.memref_slice %arg4[%dma_wait3A_87, %dma_wait3A_89, %dma_wait3A_90] : memref<2x9x3072xf32, #tpu.memory_space<vmem>> -> memref<1x9x3072xf32, #tpu.memory_space<vmem>>
      %dma_wait3A_92 = tpu.memref_squeeze %dma_wait3A_91 : memref<1x9x3072xf32, #tpu.memory_space<vmem>> -> memref<9x3072xf32, #tpu.memory_space<vmem>>
      %dma_wait3A_93 = arith.constant 0 : i32
      %dma_wait3A_94 = tpu.memref_slice %arg2[%mul3A_86, %dma_wait3A_93] : memref<9216x3072xf32, #tpu.memory_space<hbm>> -> memref<9x3072xf32, #tpu.memory_space<hbm>>
      %dma_wait3A_95 = tpu.memref_slice %arg6[%dma_wait3A_88] : memref<2x!tpu.dma_semaphore, #tpu.memory_space<semaphore_mem>> -> memref<1x!tpu.dma_semaphore, #tpu.memory_space<semaphore_mem>>
      %dma_wait3A_96 = tpu.memref_squeeze %dma_wait3A_95 : memref<1x!tpu.dma_semaphore, #tpu.memory_space<semaphore_mem>> -> memref<!tpu.dma_semaphore, #tpu.memory_space<semaphore_mem>>
      %dma_wait3A_97 = arith.constant 0 : i32
      %dma_wait3A_98 = arith.constant 0 : i32
      %dma_wait3A_99 = tpu.memref_slice %arg4[%dma_wait3A_87, %dma_wait3A_97, %dma_wait3A_98] : memref<2x9x3072xf32, #tpu.memory_space<vmem>> -> memref<1x9x3072xf32, #tpu.memory_space<vmem>>
      %dma_wait3A_100 = tpu.memref_squeeze %dma_wait3A_99 : memref<1x9x3072xf32, #tpu.memory_space<vmem>> -> memref<9x3072xf32, #tpu.memory_space<vmem>>
      %dma_wait3A_101 = arith.constant 0 : i32
      %dma_wait3A_102 = tpu.memref_slice %arg2[%mul3A_86, %dma_wait3A_101] : memref<9216x3072xf32, #tpu.memory_space<hbm>> -> memref<9x3072xf32, #tpu.memory_space<hbm>>
      tpu.wait_dma2 semaphore(%dma_wait3A_96 : memref<!tpu.dma_semaphore, #tpu.memory_space<semaphore_mem>>) src(%dma_wait3A_102 : memref<9x3072xf32, #tpu.memory_space<hbm>>) dst(%dma_wait3A_100 : memref<9x3072xf32, #tpu.memory_space<vmem>>)
      %ge3A = arith.constant 2 : i32
      %ge3A_103 = arith.cmpi sge, %mul3A_83, %ge3A : i32
      %convert_element_type3A = arith.extui %ge3A_103 : i1 to i32
      %cond3A = arith.constant 0 : i32
      %cond3A_104 = arith.cmpi ne, %convert_element_type3A, %cond3A : i32
      scf.if %cond3A_104 {
        %sub3A = arith.constant 2 : i32
        %sub3A_190 = arith.subi %mul3A_83, %sub3A : i32
        %add3A_191 = arith.addi %mul3A_2, %sub3A_190 : i32
        %dma_wait3A_192 = arith.constant 0 : i32
        %dma_wait3A_193 = arith.constant 0 : i32
        %dma_wait3A_194 = arith.constant 0 : i32
        %dma_wait3A_195 = tpu.memref_slice %arg5[%dma_wait3A_192, %dma_wait3A_194] : memref<2x9216xf32, #tpu.memory_space<vmem>> -> memref<1x9216xf32, #tpu.memory_space<vmem>>
        %dma_wait3A_196 = tpu.memref_squeeze %dma_wait3A_195 : memref<1x9216xf32, #tpu.memory_space<vmem>> -> memref<9216xf32, #tpu.memory_space<vmem>>
        %dma_wait3A_197 = arith.constant 0 : i32
        %dma_wait3A_198 = tpu.memref_slice %arg3[%add3A_191, %dma_wait3A_197] : memref<1024x9216xf32, #tpu.memory_space<hbm>> -> memref<1x9216xf32, #tpu.memory_space<hbm>>
        %dma_wait3A_199 = tpu.memref_squeeze %dma_wait3A_198 : memref<1x9216xf32, #tpu.memory_space<hbm>> -> memref<9216xf32, #tpu.memory_space<hbm>>
        %dma_wait3A_200 = tpu.memref_slice %arg7[%dma_wait3A_193] : memref<2x!tpu.dma_semaphore, #tpu.memory_space<semaphore_mem>> -> memref<1x!tpu.dma_semaphore, #tpu.memory_space<semaphore_mem>>
        %dma_wait3A_201 = tpu.memref_squeeze %dma_wait3A_200 : memref<1x!tpu.dma_semaphore, #tpu.memory_space<semaphore_mem>> -> memref<!tpu.dma_semaphore, #tpu.memory_space<semaphore_mem>>
        %dma_wait3A_202 = arith.constant 0 : i32
        %dma_wait3A_203 = tpu.memref_slice %arg3[%add3A_191, %dma_wait3A_202] : memref<1024x9216xf32, #tpu.memory_space<hbm>> -> memref<1x9216xf32, #tpu.memory_space<hbm>>
        %dma_wait3A_204 = tpu.memref_squeeze %dma_wait3A_203 : memref<1x9216xf32, #tpu.memory_space<hbm>> -> memref<9216xf32, #tpu.memory_space<hbm>>
        %dma_wait3A_205 = arith.constant 0 : i32
        %dma_wait3A_206 = tpu.memref_slice %arg5[%dma_wait3A_192, %dma_wait3A_205] : memref<2x9216xf32, #tpu.memory_space<vmem>> -> memref<1x9216xf32, #tpu.memory_space<vmem>>
        %dma_wait3A_207 = tpu.memref_squeeze %dma_wait3A_206 : memref<1x9216xf32, #tpu.memory_space<vmem>> -> memref<9216xf32, #tpu.memory_space<vmem>>
        tpu.wait_dma2 semaphore(%dma_wait3A_201 : memref<!tpu.dma_semaphore, #tpu.memory_space<semaphore_mem>>) src(%dma_wait3A_207 : memref<9216xf32, #tpu.memory_space<vmem>>) dst(%dma_wait3A_204 : memref<9216xf32, #tpu.memory_space<hbm>>)
      } else {
      }
      %scan3A_105 = arith.constant 0 : i32
      %scan3A_106 = arith.constant 192 : i32
      %scan3A_107 = arith.addi %scan3A_105, %scan3A_106 : i32
      %scan3A_108 = arith.constant 4 : i32
      scf.for %scan3A_190 = %scan3A_105 to %scan3A_107 step %scan3A_108  : i32 {
        %mul3A_191 = arith.constant 16 : i32
        %mul3A_192 = arith.muli %scan3A_190, %mul3A_191 : i32
        %get3A = arith.constant 0 : i32
        %get3A_193 = arith.constant 0 : i32
        %get3A_194 = arith.index_cast %get3A : i32 to index
        %get3A_195 = arith.index_cast %get3A_193 : i32 to index
        %get3A_196 = arith.index_cast %mul3A_192 : i32 to index
        %get3A_197 = tpu.vector_load %arg4[%get3A_194, %get3A_195, %get3A_196] {strides = array<i32>} : memref<2x9x3072xf32, #tpu.memory_space<vmem>>, vector<1x1x16xf32>,
        %get3A_198 = vector.shape_cast %get3A_197 : vector<1x1x16xf32> to vector<16xf32>
        %get3A_199 = arith.constant 0 : i32
        %get3A_200 = arith.constant 1 : i32
        %get3A_201 = arith.index_cast %get3A_199 : i32 to index
        %get3A_202 = arith.index_cast %get3A_200 : i32 to index
        %get3A_203 = arith.index_cast %mul3A_192 : i32 to index
        %get3A_204 = tpu.vector_load %arg4[%get3A_201, %get3A_202, %get3A_203] {strides = array<i32>} : memref<2x9x3072xf32, #tpu.memory_space<vmem>>, vector<1x1x16xf32>,
        %get3A_205 = vector.shape_cast %get3A_204 : vector<1x1x16xf32> to vector<16xf32>
        %get3A_206 = arith.constant 0 : i32
        %get3A_207 = arith.constant 2 : i32
        %get3A_208 = arith.index_cast %get3A_206 : i32 to index
        %get3A_209 = arith.index_cast %get3A_207 : i32 to index
        %get3A_210 = arith.index_cast %mul3A_192 : i32 to index
        %get3A_211 = tpu.vector_load %arg4[%get3A_208, %get3A_209, %get3A_210] {strides = array<i32>} : memref<2x9x3072xf32, #tpu.memory_space<vmem>>, vector<1x1x16xf32>,
        %get3A_212 = vector.shape_cast %get3A_211 : vector<1x1x16xf32> to vector<16xf32>
        %get3A_213 = arith.constant 0 : i32
        %get3A_214 = arith.constant 3 : i32
        %get3A_215 = arith.index_cast %get3A_213 : i32 to index
        %get3A_216 = arith.index_cast %get3A_214 : i32 to index
        %get3A_217 = arith.index_cast %mul3A_192 : i32 to index
        %get3A_218 = tpu.vector_load %arg4[%get3A_215, %get3A_216, %get3A_217] {strides = array<i32>} : memref<2x9x3072xf32, #tpu.memory_space<vmem>>, vector<1x1x16xf32>,
        %get3A_219 = vector.shape_cast %get3A_218 : vector<1x1x16xf32> to vector<16xf32>
        %get3A_220 = arith.constant 0 : i32
        %get3A_221 = arith.constant 4 : i32
        %get3A_222 = arith.index_cast %get3A_220 : i32 to index
        %get3A_223 = arith.index_cast %get3A_221 : i32 to index
        %get3A_224 = arith.index_cast %mul3A_192 : i32 to index
        %get3A_225 = tpu.vector_load %arg4[%get3A_222, %get3A_223, %get3A_224] {strides = array<i32>} : memref<2x9x3072xf32, #tpu.memory_space<vmem>>, vector<1x1x16xf32>,
        %get3A_226 = vector.shape_cast %get3A_225 : vector<1x1x16xf32> to vector<16xf32>
        %get3A_227 = arith.constant 0 : i32
        %get3A_228 = arith.constant 5 : i32
        %get3A_229 = arith.index_cast %get3A_227 : i32 to index
        %get3A_230 = arith.index_cast %get3A_228 : i32 to index
        %get3A_231 = arith.index_cast %mul3A_192 : i32 to index
        %get3A_232 = tpu.vector_load %arg4[%get3A_229, %get3A_230, %get3A_231] {strides = array<i32>} : memref<2x9x3072xf32, #tpu.memory_space<vmem>>, vector<1x1x16xf32>,
        %get3A_233 = vector.shape_cast %get3A_232 : vector<1x1x16xf32> to vector<16xf32>
        %get3A_234 = arith.constant 0 : i32
        %get3A_235 = arith.constant 6 : i32
        %get3A_236 = arith.index_cast %get3A_234 : i32 to index
        %get3A_237 = arith.index_cast %get3A_235 : i32 to index
        %get3A_238 = arith.index_cast %mul3A_192 : i32 to index
        %get3A_239 = tpu.vector_load %arg4[%get3A_236, %get3A_237, %get3A_238] {strides = array<i32>} : memref<2x9x3072xf32, #tpu.memory_space<vmem>>, vector<1x1x16xf32>,
        %get3A_240 = vector.shape_cast %get3A_239 : vector<1x1x16xf32> to vector<16xf32>
        %get3A_241 = arith.constant 0 : i32
        %get3A_242 = arith.constant 7 : i32
        %get3A_243 = arith.index_cast %get3A_241 : i32 to index
        %get3A_244 = arith.index_cast %get3A_242 : i32 to index
        %get3A_245 = arith.index_cast %mul3A_192 : i32 to index
        %get3A_246 = tpu.vector_load %arg4[%get3A_243, %get3A_244, %get3A_245] {strides = array<i32>} : memref<2x9x3072xf32, #tpu.memory_space<vmem>>, vector<1x1x16xf32>,
        %get3A_247 = vector.shape_cast %get3A_246 : vector<1x1x16xf32> to vector<16xf32>
        %get3A_248 = arith.constant 0 : i32
        %get3A_249 = arith.constant 8 : i32
        %get3A_250 = arith.index_cast %get3A_248 : i32 to index
        %get3A_251 = arith.index_cast %get3A_249 : i32 to index
        %get3A_252 = arith.index_cast %mul3A_192 : i32 to index
        %get3A_253 = tpu.vector_load %arg4[%get3A_250, %get3A_251, %get3A_252] {strides = array<i32>} : memref<2x9x3072xf32, #tpu.memory_space<vmem>>, vector<1x1x16xf32>,
        %get3A_254 = vector.shape_cast %get3A_253 : vector<1x1x16xf32> to vector<16xf32>
        %add3A_255 = arith.addf %get3A_198, %get3A_205 : vector<16xf32>
        %mul3A_256 = arith.constant 5.000000e-01 : f32
        %mul3A_257 = vector.broadcast %mul3A_256 : f32 to vector<16xf32>
        %mul3A_258 = arith.mulf %add3A_255, %mul3A_257 : vector<16xf32>
        %add3A_259 = arith.addf %get3A_212, %get3A_219 : vector<16xf32>
        %add3A_260 = arith.addf %add3A_259, %get3A_226 : vector<16xf32>
        %add3A_261 = arith.addf %add3A_260, %get3A_233 : vector<16xf32>
        %add3A_262 = arith.addf %add3A_261, %get3A_240 : vector<16xf32>
        %mul3A_263 = arith.constant 2.000000e-01 : f32
        %mul3A_264 = vector.broadcast %mul3A_263 : f32 to vector<16xf32>
        %mul3A_265 = arith.mulf %add3A_262, %mul3A_264 : vector<16xf32>
        %add3A_266 = arith.addf %get3A_247, %get3A_254 : vector<16xf32>
        %mul3A_267 = arith.constant 5.000000e-01 : f32
        %mul3A_268 = vector.broadcast %mul3A_267 : f32 to vector<16xf32>
        %mul3A_269 = arith.mulf %add3A_266, %mul3A_268 : vector<16xf32>
        %swap3A = arith.constant 0 : i32
        %swap3A_270 = arith.index_cast %swap3A : i32 to index
        %swap3A_271 = arith.index_cast %mul3A_192 : i32 to index
        %swap3A_272 = tpu.vector_load %arg5[%swap3A_270, %swap3A_271] {strides = array<i32>} : memref<2x9216xf32, #tpu.memory_space<vmem>>, vector<1x16xf32>,
        %swap3A_273 = vector.shape_cast %swap3A_272 : vector<1x16xf32> to vector<16xf32>
        %swap3A_274 = vector.shape_cast %mul3A_258 : vector<16xf32> to vector<1x16xf32>
        tpu.vector_store %arg5[%swap3A_270, %swap3A_271], %swap3A_274 {strides = array<i32>} : memref<2x9216xf32, #tpu.memory_space<vmem>>, vector<1x16xf32>,
        %add3A_275 = arith.constant 3072 : i32
        %add3A_276 = arith.addi %add3A_275, %mul3A_192 : i32
        %swap3A_277 = arith.constant 0 : i32
        %swap3A_278 = arith.index_cast %swap3A_277 : i32 to index
        %swap3A_279 = arith.index_cast %add3A_276 : i32 to index
        %swap3A_280 = tpu.vector_load %arg5[%swap3A_278, %swap3A_279] {strides = array<i32>} : memref<2x9216xf32, #tpu.memory_space<vmem>>, vector<1x16xf32>,
        %swap3A_281 = vector.shape_cast %swap3A_280 : vector<1x16xf32> to vector<16xf32>
        %swap3A_282 = vector.shape_cast %mul3A_265 : vector<16xf32> to vector<1x16xf32>
        tpu.vector_store %arg5[%swap3A_278, %swap3A_279], %swap3A_282 {strides = array<i32>} : memref<2x9216xf32, #tpu.memory_space<vmem>>, vector<1x16xf32>,
        %add3A_283 = arith.constant 6144 : i32
        %add3A_284 = arith.addi %add3A_283, %mul3A_192 : i32
        %swap3A_285 = arith.constant 0 : i32
        %swap3A_286 = arith.index_cast %swap3A_285 : i32 to index
        %swap3A_287 = arith.index_cast %add3A_284 : i32 to index
        %swap3A_288 = tpu.vector_load %arg5[%swap3A_286, %swap3A_287] {strides = array<i32>} : memref<2x9216xf32, #tpu.memory_space<vmem>>, vector<1x16xf32>,
        %swap3A_289 = vector.shape_cast %swap3A_288 : vector<1x16xf32> to vector<16xf32>
        %swap3A_290 = vector.shape_cast %mul3A_269 : vector<16xf32> to vector<1x16xf32>
        tpu.vector_store %arg5[%swap3A_286, %swap3A_287], %swap3A_290 {strides = array<i32>} : memref<2x9216xf32, #tpu.memory_space<vmem>>, vector<1x16xf32>,
        %scan3A_291 = arith.constant 1 : i32
        %scan3A_292 = arith.addi %scan3A_190, %scan3A_291 : i32
        %mul3A_293 = arith.constant 16 : i32
        %mul3A_294 = arith.muli %scan3A_292, %mul3A_293 : i32
        %get3A_295 = arith.constant 0 : i32
        %get3A_296 = arith.constant 0 : i32
        %get3A_297 = arith.index_cast %get3A_295 : i32 to index
        %get3A_298 = arith.index_cast %get3A_296 : i32 to index
        %get3A_299 = arith.index_cast %mul3A_294 : i32 to index
        %get3A_300 = tpu.vector_load %arg4[%get3A_297, %get3A_298, %get3A_299] {strides = array<i32>} : memref<2x9x3072xf32, #tpu.memory_space<vmem>>, vector<1x1x16xf32>,
        %get3A_301 = vector.shape_cast %get3A_300 : vector<1x1x16xf32> to vector<16xf32>
        %get3A_302 = arith.constant 0 : i32
        %get3A_303 = arith.constant 1 : i32
        %get3A_304 = arith.index_cast %get3A_302 : i32 to index
        %get3A_305 = arith.index_cast %get3A_303 : i32 to index
        %get3A_306 = arith.index_cast %mul3A_294 : i32 to index
        %get3A_307 = tpu.vector_load %arg4[%get3A_304, %get3A_305, %get3A_306] {strides = array<i32>} : memref<2x9x3072xf32, #tpu.memory_space<vmem>>, vector<1x1x16xf32>,
        %get3A_308 = vector.shape_cast %get3A_307 : vector<1x1x16xf32> to vector<16xf32>
        %get3A_309 = arith.constant 0 : i32
        %get3A_310 = arith.constant 2 : i32
        %get3A_311 = arith.index_cast %get3A_309 : i32 to index
        %get3A_312 = arith.index_cast %get3A_310 : i32 to index
        %get3A_313 = arith.index_cast %mul3A_294 : i32 to index
        %get3A_314 = tpu.vector_load %arg4[%get3A_311, %get3A_312, %get3A_313] {strides = array<i32>} : memref<2x9x3072xf32, #tpu.memory_space<vmem>>, vector<1x1x16xf32>,
        %get3A_315 = vector.shape_cast %get3A_314 : vector<1x1x16xf32> to vector<16xf32>
        %get3A_316 = arith.constant 0 : i32
        %get3A_317 = arith.constant 3 : i32
        %get3A_318 = arith.index_cast %get3A_316 : i32 to index
        %get3A_319 = arith.index_cast %get3A_317 : i32 to index
        %get3A_320 = arith.index_cast %mul3A_294 : i32 to index
        %get3A_321 = tpu.vector_load %arg4[%get3A_318, %get3A_319, %get3A_320] {strides = array<i32>} : memref<2x9x3072xf32, #tpu.memory_space<vmem>>, vector<1x1x16xf32>,
        %get3A_322 = vector.shape_cast %get3A_321 : vector<1x1x16xf32> to vector<16xf32>
        %get3A_323 = arith.constant 0 : i32
        %get3A_324 = arith.constant 4 : i32
        %get3A_325 = arith.index_cast %get3A_323 : i32 to index
        %get3A_326 = arith.index_cast %get3A_324 : i32 to index
        %get3A_327 = arith.index_cast %mul3A_294 : i32 to index
        %get3A_328 = tpu.vector_load %arg4[%get3A_325, %get3A_326, %get3A_327] {strides = array<i32>} : memref<2x9x3072xf32, #tpu.memory_space<vmem>>, vector<1x1x16xf32>,
        %get3A_329 = vector.shape_cast %get3A_328 : vector<1x1x16xf32> to vector<16xf32>
        %get3A_330 = arith.constant 0 : i32
        %get3A_331 = arith.constant 5 : i32
        %get3A_332 = arith.index_cast %get3A_330 : i32 to index
        %get3A_333 = arith.index_cast %get3A_331 : i32 to index
        %get3A_334 = arith.index_cast %mul3A_294 : i32 to index
        %get3A_335 = tpu.vector_load %arg4[%get3A_332, %get3A_333, %get3A_334] {strides = array<i32>} : memref<2x9x3072xf32, #tpu.memory_space<vmem>>, vector<1x1x16xf32>,
        %get3A_336 = vector.shape_cast %get3A_335 : vector<1x1x16xf32> to vector<16xf32>
        %get3A_337 = arith.constant 0 : i32
        %get3A_338 = arith.constant 6 : i32
        %get3A_339 = arith.index_cast %get3A_337 : i32 to index
        %get3A_340 = arith.index_cast %get3A_338 : i32 to index
        %get3A_341 = arith.index_cast %mul3A_294 : i32 to index
        %get3A_342 = tpu.vector_load %arg4[%get3A_339, %get3A_340, %get3A_341] {strides = array<i32>} : memref<2x9x3072xf32, #tpu.memory_space<vmem>>, vector<1x1x16xf32>,
        %get3A_343 = vector.shape_cast %get3A_342 : vector<1x1x16xf32> to vector<16xf32>
        %get3A_344 = arith.constant 0 : i32
        %get3A_345 = arith.constant 7 : i32
        %get3A_346 = arith.index_cast %get3A_344 : i32 to index
        %get3A_347 = arith.index_cast %get3A_345 : i32 to index
        %get3A_348 = arith.index_cast %mul3A_294 : i32 to index
        %get3A_349 = tpu.vector_load %arg4[%get3A_346, %get3A_347, %get3A_348] {strides = array<i32>} : memref<2x9x3072xf32, #tpu.memory_space<vmem>>, vector<1x1x16xf32>,
        %get3A_350 = vector.shape_cast %get3A_349 : vector<1x1x16xf32> to vector<16xf32>
        %get3A_351 = arith.constant 0 : i32
        %get3A_352 = arith.constant 8 : i32
        %get3A_353 = arith.index_cast %get3A_351 : i32 to index
        %get3A_354 = arith.index_cast %get3A_352 : i32 to index
        %get3A_355 = arith.index_cast %mul3A_294 : i32 to index
        %get3A_356 = tpu.vector_load %arg4[%get3A_353, %get3A_354, %get3A_355] {strides = array<i32>} : memref<2x9x3072xf32, #tpu.memory_space<vmem>>, vector<1x1x16xf32>,
        %get3A_357 = vector.shape_cast %get3A_356 : vector<1x1x16xf32> to vector<16xf32>
        %add3A_358 = arith.addf %get3A_301, %get3A_308 : vector<16xf32>
        %mul3A_359 = arith.constant 5.000000e-01 : f32
        %mul3A_360 = vector.broadcast %mul3A_359 : f32 to vector<16xf32>
        %mul3A_361 = arith.mulf %add3A_358, %mul3A_360 : vector<16xf32>
        %add3A_362 = arith.addf %get3A_315, %get3A_322 : vector<16xf32>
        %add3A_363 = arith.addf %add3A_362, %get3A_329 : vector<16xf32>
        %add3A_364 = arith.addf %add3A_363, %get3A_336 : vector<16xf32>
        %add3A_365 = arith.addf %add3A_364, %get3A_343 : vector<16xf32>
        %mul3A_366 = arith.constant 2.000000e-01 : f32
        %mul3A_367 = vector.broadcast %mul3A_366 : f32 to vector<16xf32>
        %mul3A_368 = arith.mulf %add3A_365, %mul3A_367 : vector<16xf32>
        %add3A_369 = arith.addf %get3A_350, %get3A_357 : vector<16xf32>
        %mul3A_370 = arith.constant 5.000000e-01 : f32
        %mul3A_371 = vector.broadcast %mul3A_370 : f32 to vector<16xf32>
        %mul3A_372 = arith.mulf %add3A_369, %mul3A_371 : vector<16xf32>
        %swap3A_373 = arith.constant 0 : i32
        %swap3A_374 = arith.index_cast %swap3A_373 : i32 to index
        %swap3A_375 = arith.index_cast %mul3A_294 : i32 to index
        %swap3A_376 = tpu.vector_load %arg5[%swap3A_374, %swap3A_375] {strides = array<i32>} : memref<2x9216xf32, #tpu.memory_space<vmem>>, vector<1x16xf32>,
        %swap3A_377 = vector.shape_cast %swap3A_376 : vector<1x16xf32> to vector<16xf32>
        %swap3A_378 = vector.shape_cast %mul3A_361 : vector<16xf32> to vector<1x16xf32>
        tpu.vector_store %arg5[%swap3A_374, %swap3A_375], %swap3A_378 {strides = array<i32>} : memref<2x9216xf32, #tpu.memory_space<vmem>>, vector<1x16xf32>,
        %add3A_379 = arith.constant 3072 : i32
        %add3A_380 = arith.addi %add3A_379, %mul3A_294 : i32
        %swap3A_381 = arith.constant 0 : i32
        %swap3A_382 = arith.index_cast %swap3A_381 : i32 to index
        %swap3A_383 = arith.index_cast %add3A_380 : i32 to index
        %swap3A_384 = tpu.vector_load %arg5[%swap3A_382, %swap3A_383] {strides = array<i32>} : memref<2x9216xf32, #tpu.memory_space<vmem>>, vector<1x16xf32>,
        %swap3A_385 = vector.shape_cast %swap3A_384 : vector<1x16xf32> to vector<16xf32>
        %swap3A_386 = vector.shape_cast %mul3A_368 : vector<16xf32> to vector<1x16xf32>
        tpu.vector_store %arg5[%swap3A_382, %swap3A_383], %swap3A_386 {strides = array<i32>} : memref<2x9216xf32, #tpu.memory_space<vmem>>, vector<1x16xf32>,
        %add3A_387 = arith.constant 6144 : i32
        %add3A_388 = arith.addi %add3A_387, %mul3A_294 : i32
        %swap3A_389 = arith.constant 0 : i32
        %swap3A_390 = arith.index_cast %swap3A_389 : i32 to index
        %swap3A_391 = arith.index_cast %add3A_388 : i32 to index
        %swap3A_392 = tpu.vector_load %arg5[%swap3A_390, %swap3A_391] {strides = array<i32>} : memref<2x9216xf32, #tpu.memory_space<vmem>>, vector<1x16xf32>,
        %swap3A_393 = vector.shape_cast %swap3A_392 : vector<1x16xf32> to vector<16xf32>
        %swap3A_394 = vector.shape_cast %mul3A_372 : vector<16xf32> to vector<1x16xf32>
        tpu.vector_store %arg5[%swap3A_390, %swap3A_391], %swap3A_394 {strides = array<i32>} : memref<2x9216xf32, #tpu.memory_space<vmem>>, vector<1x16xf32>,
        %scan3A_395 = arith.constant 2 : i32
        %scan3A_396 = arith.addi %scan3A_190, %scan3A_395 : i32
        %mul3A_397 = arith.constant 16 : i32
        %mul3A_398 = arith.muli %scan3A_396, %mul3A_397 : i32
        %get3A_399 = arith.constant 0 : i32
        %get3A_400 = arith.constant 0 : i32
        %get3A_401 = arith.index_cast %get3A_399 : i32 to index
        %get3A_402 = arith.index_cast %get3A_400 : i32 to index
        %get3A_403 = arith.index_cast %mul3A_398 : i32 to index
        %get3A_404 = tpu.vector_load %arg4[%get3A_401, %get3A_402, %get3A_403] {strides = array<i32>} : memref<2x9x3072xf32, #tpu.memory_space<vmem>>, vector<1x1x16xf32>,
        %get3A_405 = vector.shape_cast %get3A_404 : vector<1x1x16xf32> to vector<16xf32>
        %get3A_406 = arith.constant 0 : i32
        %get3A_407 = arith.constant 1 : i32
        %get3A_408 = arith.index_cast %get3A_406 : i32 to index
        %get3A_409 = arith.index_cast %get3A_407 : i32 to index
        %get3A_410 = arith.index_cast %mul3A_398 : i32 to index
        %get3A_411 = tpu.vector_load %arg4[%get3A_408, %get3A_409, %get3A_410] {strides = array<i32>} : memref<2x9x3072xf32, #tpu.memory_space<vmem>>, vector<1x1x16xf32>,
        %get3A_412 = vector.shape_cast %get3A_411 : vector<1x1x16xf32> to vector<16xf32>
        %get3A_413 = arith.constant 0 : i32
        %get3A_414 = arith.constant 2 : i32
        %get3A_415 = arith.index_cast %get3A_413 : i32 to index
        %get3A_416 = arith.index_cast %get3A_414 : i32 to index
        %get3A_417 = arith.index_cast %mul3A_398 : i32 to index
        %get3A_418 = tpu.vector_load %arg4[%get3A_415, %get3A_416, %get3A_417] {strides = array<i32>} : memref<2x9x3072xf32, #tpu.memory_space<vmem>>, vector<1x1x16xf32>,
        %get3A_419 = vector.shape_cast %get3A_418 : vector<1x1x16xf32> to vector<16xf32>
        %get3A_420 = arith.constant 0 : i32
        %get3A_421 = arith.constant 3 : i32
        %get3A_422 = arith.index_cast %get3A_420 : i32 to index
        %get3A_423 = arith.index_cast %get3A_421 : i32 to index
        %get3A_424 = arith.index_cast %mul3A_398 : i32 to index
        %get3A_425 = tpu.vector_load %arg4[%get3A_422, %get3A_423, %get3A_424] {strides = array<i32>} : memref<2x9x3072xf32, #tpu.memory_space<vmem>>, vector<1x1x16xf32>,
        %get3A_426 = vector.shape_cast %get3A_425 : vector<1x1x16xf32> to vector<16xf32>
        %get3A_427 = arith.constant 0 : i32
        %get3A_428 = arith.constant 4 : i32
        %get3A_429 = arith.index_cast %get3A_427 : i32 to index
        %get3A_430 = arith.index_cast %get3A_428 : i32 to index
        %get3A_431 = arith.index_cast %mul3A_398 : i32 to index
        %get3A_432 = tpu.vector_load %arg4[%get3A_429, %get3A_430, %get3A_431] {strides = array<i32>} : memref<2x9x3072xf32, #tpu.memory_space<vmem>>, vector<1x1x16xf32>,
        %get3A_433 = vector.shape_cast %get3A_432 : vector<1x1x16xf32> to vector<16xf32>
        %get3A_434 = arith.constant 0 : i32
        %get3A_435 = arith.constant 5 : i32
        %get3A_436 = arith.index_cast %get3A_434 : i32 to index
        %get3A_437 = arith.index_cast %get3A_435 : i32 to index
        %get3A_438 = arith.index_cast %mul3A_398 : i32 to index
        %get3A_439 = tpu.vector_load %arg4[%get3A_436, %get3A_437, %get3A_438] {strides = array<i32>} : memref<2x9x3072xf32, #tpu.memory_space<vmem>>, vector<1x1x16xf32>,
        %get3A_440 = vector.shape_cast %get3A_439 : vector<1x1x16xf32> to vector<16xf32>
        %get3A_441 = arith.constant 0 : i32
        %get3A_442 = arith.constant 6 : i32
        %get3A_443 = arith.index_cast %get3A_441 : i32 to index
        %get3A_444 = arith.index_cast %get3A_442 : i32 to index
        %get3A_445 = arith.index_cast %mul3A_398 : i32 to index
        %get3A_446 = tpu.vector_load %arg4[%get3A_443, %get3A_444, %get3A_445] {strides = array<i32>} : memref<2x9x3072xf32, #tpu.memory_space<vmem>>, vector<1x1x16xf32>,
        %get3A_447 = vector.shape_cast %get3A_446 : vector<1x1x16xf32> to vector<16xf32>
        %get3A_448 = arith.constant 0 : i32
        %get3A_449 = arith.constant 7 : i32
        %get3A_450 = arith.index_cast %get3A_448 : i32 to index
        %get3A_451 = arith.index_cast %get3A_449 : i32 to index
        %get3A_452 = arith.index_cast %mul3A_398 : i32 to index
        %get3A_453 = tpu.vector_load %arg4[%get3A_450, %get3A_451, %get3A_452] {strides = array<i32>} : memref<2x9x3072xf32, #tpu.memory_space<vmem>>, vector<1x1x16xf32>,
        %get3A_454 = vector.shape_cast %get3A_453 : vector<1x1x16xf32> to vector<16xf32>
        %get3A_455 = arith.constant 0 : i32
        %get3A_456 = arith.constant 8 : i32
        %get3A_457 = arith.index_cast %get3A_455 : i32 to index
        %get3A_458 = arith.index_cast %get3A_456 : i32 to index
        %get3A_459 = arith.index_cast %mul3A_398 : i32 to index
        %get3A_460 = tpu.vector_load %arg4[%get3A_457, %get3A_458, %get3A_459] {strides = array<i32>} : memref<2x9x3072xf32, #tpu.memory_space<vmem>>, vector<1x1x16xf32>,
        %get3A_461 = vector.shape_cast %get3A_460 : vector<1x1x16xf32> to vector<16xf32>
        %add3A_462 = arith.addf %get3A_405, %get3A_412 : vector<16xf32>
        %mul3A_463 = arith.constant 5.000000e-01 : f32
        %mul3A_464 = vector.broadcast %mul3A_463 : f32 to vector<16xf32>
        %mul3A_465 = arith.mulf %add3A_462, %mul3A_464 : vector<16xf32>
        %add3A_466 = arith.addf %get3A_419, %get3A_426 : vector<16xf32>
        %add3A_467 = arith.addf %add3A_466, %get3A_433 : vector<16xf32>
        %add3A_468 = arith.addf %add3A_467, %get3A_440 : vector<16xf32>
        %add3A_469 = arith.addf %add3A_468, %get3A_447 : vector<16xf32>
        %mul3A_470 = arith.constant 2.000000e-01 : f32
        %mul3A_471 = vector.broadcast %mul3A_470 : f32 to vector<16xf32>
        %mul3A_472 = arith.mulf %add3A_469, %mul3A_471 : vector<16xf32>
        %add3A_473 = arith.addf %get3A_454, %get3A_461 : vector<16xf32>
        %mul3A_474 = arith.constant 5.000000e-01 : f32
        %mul3A_475 = vector.broadcast %mul3A_474 : f32 to vector<16xf32>
        %mul3A_476 = arith.mulf %add3A_473, %mul3A_475 : vector<16xf32>
        %swap3A_477 = arith.constant 0 : i32
        %swap3A_478 = arith.index_cast %swap3A_477 : i32 to index
        %swap3A_479 = arith.index_cast %mul3A_398 : i32 to index
        %swap3A_480 = tpu.vector_load %arg5[%swap3A_478, %swap3A_479] {strides = array<i32>} : memref<2x9216xf32, #tpu.memory_space<vmem>>, vector<1x16xf32>,
        %swap3A_481 = vector.shape_cast %swap3A_480 : vector<1x16xf32> to vector<16xf32>
        %swap3A_482 = vector.shape_cast %mul3A_465 : vector<16xf32> to vector<1x16xf32>
        tpu.vector_store %arg5[%swap3A_478, %swap3A_479], %swap3A_482 {strides = array<i32>} : memref<2x9216xf32, #tpu.memory_space<vmem>>, vector<1x16xf32>,
        %add3A_483 = arith.constant 3072 : i32
        %add3A_484 = arith.addi %add3A_483, %mul3A_398 : i32
        %swap3A_485 = arith.constant 0 : i32
        %swap3A_486 = arith.index_cast %swap3A_485 : i32 to index
        %swap3A_487 = arith.index_cast %add3A_484 : i32 to index
        %swap3A_488 = tpu.vector_load %arg5[%swap3A_486, %swap3A_487] {strides = array<i32>} : memref<2x9216xf32, #tpu.memory_space<vmem>>, vector<1x16xf32>,
        %swap3A_489 = vector.shape_cast %swap3A_488 : vector<1x16xf32> to vector<16xf32>
        %swap3A_490 = vector.shape_cast %mul3A_472 : vector<16xf32> to vector<1x16xf32>
        tpu.vector_store %arg5[%swap3A_486, %swap3A_487], %swap3A_490 {strides = array<i32>} : memref<2x9216xf32, #tpu.memory_space<vmem>>, vector<1x16xf32>,
        %add3A_491 = arith.constant 6144 : i32
        %add3A_492 = arith.addi %add3A_491, %mul3A_398 : i32
        %swap3A_493 = arith.constant 0 : i32
        %swap3A_494 = arith.index_cast %swap3A_493 : i32 to index
        %swap3A_495 = arith.index_cast %add3A_492 : i32 to index
        %swap3A_496 = tpu.vector_load %arg5[%swap3A_494, %swap3A_495] {strides = array<i32>} : memref<2x9216xf32, #tpu.memory_space<vmem>>, vector<1x16xf32>,
        %swap3A_497 = vector.shape_cast %swap3A_496 : vector<1x16xf32> to vector<16xf32>
        %swap3A_498 = vector.shape_cast %mul3A_476 : vector<16xf32> to vector<1x16xf32>
        tpu.vector_store %arg5[%swap3A_494, %swap3A_495], %swap3A_498 {strides = array<i32>} : memref<2x9216xf32, #tpu.memory_space<vmem>>, vector<1x16xf32>,
        %scan3A_499 = arith.constant 3 : i32
        %scan3A_500 = arith.addi %scan3A_190, %scan3A_499 : i32
        %mul3A_501 = arith.constant 16 : i32
        %mul3A_502 = arith.muli %scan3A_500, %mul3A_501 : i32
        %get3A_503 = arith.constant 0 : i32
        %get3A_504 = arith.constant 0 : i32
        %get3A_505 = arith.index_cast %get3A_503 : i32 to index
        %get3A_506 = arith.index_cast %get3A_504 : i32 to index
        %get3A_507 = arith.index_cast %mul3A_502 : i32 to index
        %get3A_508 = tpu.vector_load %arg4[%get3A_505, %get3A_506, %get3A_507] {strides = array<i32>} : memref<2x9x3072xf32, #tpu.memory_space<vmem>>, vector<1x1x16xf32>,
        %get3A_509 = vector.shape_cast %get3A_508 : vector<1x1x16xf32> to vector<16xf32>
        %get3A_510 = arith.constant 0 : i32
        %get3A_511 = arith.constant 1 : i32
        %get3A_512 = arith.index_cast %get3A_510 : i32 to index
        %get3A_513 = arith.index_cast %get3A_511 : i32 to index
        %get3A_514 = arith.index_cast %mul3A_502 : i32 to index
        %get3A_515 = tpu.vector_load %arg4[%get3A_512, %get3A_513, %get3A_514] {strides = array<i32>} : memref<2x9x3072xf32, #tpu.memory_space<vmem>>, vector<1x1x16xf32>,
        %get3A_516 = vector.shape_cast %get3A_515 : vector<1x1x16xf32> to vector<16xf32>
        %get3A_517 = arith.constant 0 : i32
        %get3A_518 = arith.constant 2 : i32
        %get3A_519 = arith.index_cast %get3A_517 : i32 to index
        %get3A_520 = arith.index_cast %get3A_518 : i32 to index
        %get3A_521 = arith.index_cast %mul3A_502 : i32 to index
        %get3A_522 = tpu.vector_load %arg4[%get3A_519, %get3A_520, %get3A_521] {strides = array<i32>} : memref<2x9x3072xf32, #tpu.memory_space<vmem>>, vector<1x1x16xf32>,
        %get3A_523 = vector.shape_cast %get3A_522 : vector<1x1x16xf32> to vector<16xf32>
        %get3A_524 = arith.constant 0 : i32
        %get3A_525 = arith.constant 3 : i32
        %get3A_526 = arith.index_cast %get3A_524 : i32 to index
        %get3A_527 = arith.index_cast %get3A_525 : i32 to index
        %get3A_528 = arith.index_cast %mul3A_502 : i32 to index
        %get3A_529 = tpu.vector_load %arg4[%get3A_526, %get3A_527, %get3A_528] {strides = array<i32>} : memref<2x9x3072xf32, #tpu.memory_space<vmem>>, vector<1x1x16xf32>,
        %get3A_530 = vector.shape_cast %get3A_529 : vector<1x1x16xf32> to vector<16xf32>
        %get3A_531 = arith.constant 0 : i32
        %get3A_532 = arith.constant 4 : i32
        %get3A_533 = arith.index_cast %get3A_531 : i32 to index
        %get3A_534 = arith.index_cast %get3A_532 : i32 to index
        %get3A_535 = arith.index_cast %mul3A_502 : i32 to index
        %get3A_536 = tpu.vector_load %arg4[%get3A_533, %get3A_534, %get3A_535] {strides = array<i32>} : memref<2x9x3072xf32, #tpu.memory_space<vmem>>, vector<1x1x16xf32>,
        %get3A_537 = vector.shape_cast %get3A_536 : vector<1x1x16xf32> to vector<16xf32>
        %get3A_538 = arith.constant 0 : i32
        %get3A_539 = arith.constant 5 : i32
        %get3A_540 = arith.index_cast %get3A_538 : i32 to index
        %get3A_541 = arith.index_cast %get3A_539 : i32 to index
        %get3A_542 = arith.index_cast %mul3A_502 : i32 to index
        %get3A_543 = tpu.vector_load %arg4[%get3A_540, %get3A_541, %get3A_542] {strides = array<i32>} : memref<2x9x3072xf32, #tpu.memory_space<vmem>>, vector<1x1x16xf32>,
        %get3A_544 = vector.shape_cast %get3A_543 : vector<1x1x16xf32> to vector<16xf32>
        %get3A_545 = arith.constant 0 : i32
        %get3A_546 = arith.constant 6 : i32
        %get3A_547 = arith.index_cast %get3A_545 : i32 to index
        %get3A_548 = arith.index_cast %get3A_546 : i32 to index
        %get3A_549 = arith.index_cast %mul3A_502 : i32 to index
        %get3A_550 = tpu.vector_load %arg4[%get3A_547, %get3A_548, %get3A_549] {strides = array<i32>} : memref<2x9x3072xf32, #tpu.memory_space<vmem>>, vector<1x1x16xf32>,
        %get3A_551 = vector.shape_cast %get3A_550 : vector<1x1x16xf32> to vector<16xf32>
        %get3A_552 = arith.constant 0 : i32
        %get3A_553 = arith.constant 7 : i32
        %get3A_554 = arith.index_cast %get3A_552 : i32 to index
        %get3A_555 = arith.index_cast %get3A_553 : i32 to index
        %get3A_556 = arith.index_cast %mul3A_502 : i32 to index
        %get3A_557 = tpu.vector_load %arg4[%get3A_554, %get3A_555, %get3A_556] {strides = array<i32>} : memref<2x9x3072xf32, #tpu.memory_space<vmem>>, vector<1x1x16xf32>,
        %get3A_558 = vector.shape_cast %get3A_557 : vector<1x1x16xf32> to vector<16xf32>
        %get3A_559 = arith.constant 0 : i32
        %get3A_560 = arith.constant 8 : i32
        %get3A_561 = arith.index_cast %get3A_559 : i32 to index
        %get3A_562 = arith.index_cast %get3A_560 : i32 to index
        %get3A_563 = arith.index_cast %mul3A_502 : i32 to index
        %get3A_564 = tpu.vector_load %arg4[%get3A_561, %get3A_562, %get3A_563] {strides = array<i32>} : memref<2x9x3072xf32, #tpu.memory_space<vmem>>, vector<1x1x16xf32>,
        %get3A_565 = vector.shape_cast %get3A_564 : vector<1x1x16xf32> to vector<16xf32>
        %add3A_566 = arith.addf %get3A_509, %get3A_516 : vector<16xf32>
        %mul3A_567 = arith.constant 5.000000e-01 : f32
        %mul3A_568 = vector.broadcast %mul3A_567 : f32 to vector<16xf32>
        %mul3A_569 = arith.mulf %add3A_566, %mul3A_568 : vector<16xf32>
        %add3A_570 = arith.addf %get3A_523, %get3A_530 : vector<16xf32>
        %add3A_571 = arith.addf %add3A_570, %get3A_537 : vector<16xf32>
        %add3A_572 = arith.addf %add3A_571, %get3A_544 : vector<16xf32>
        %add3A_573 = arith.addf %add3A_572, %get3A_551 : vector<16xf32>
        %mul3A_574 = arith.constant 2.000000e-01 : f32
        %mul3A_575 = vector.broadcast %mul3A_574 : f32 to vector<16xf32>
        %mul3A_576 = arith.mulf %add3A_573, %mul3A_575 : vector<16xf32>
        %add3A_577 = arith.addf %get3A_558, %get3A_565 : vector<16xf32>
        %mul3A_578 = arith.constant 5.000000e-01 : f32
        %mul3A_579 = vector.broadcast %mul3A_578 : f32 to vector<16xf32>
        %mul3A_580 = arith.mulf %add3A_577, %mul3A_579 : vector<16xf32>
        %swap3A_581 = arith.constant 0 : i32
        %swap3A_582 = arith.index_cast %swap3A_581 : i32 to index
        %swap3A_583 = arith.index_cast %mul3A_502 : i32 to index
        %swap3A_584 = tpu.vector_load %arg5[%swap3A_582, %swap3A_583] {strides = array<i32>} : memref<2x9216xf32, #tpu.memory_space<vmem>>, vector<1x16xf32>,
        %swap3A_585 = vector.shape_cast %swap3A_584 : vector<1x16xf32> to vector<16xf32>
        %swap3A_586 = vector.shape_cast %mul3A_569 : vector<16xf32> to vector<1x16xf32>
        tpu.vector_store %arg5[%swap3A_582, %swap3A_583], %swap3A_586 {strides = array<i32>} : memref<2x9216xf32, #tpu.memory_space<vmem>>, vector<1x16xf32>,
        %add3A_587 = arith.constant 3072 : i32
        %add3A_588 = arith.addi %add3A_587, %mul3A_502 : i32
        %swap3A_589 = arith.constant 0 : i32
        %swap3A_590 = arith.index_cast %swap3A_589 : i32 to index
        %swap3A_591 = arith.index_cast %add3A_588 : i32 to index
        %swap3A_592 = tpu.vector_load %arg5[%swap3A_590, %swap3A_591] {strides = array<i32>} : memref<2x9216xf32, #tpu.memory_space<vmem>>, vector<1x16xf32>,
        %swap3A_593 = vector.shape_cast %swap3A_592 : vector<1x16xf32> to vector<16xf32>
        %swap3A_594 = vector.shape_cast %mul3A_576 : vector<16xf32> to vector<1x16xf32>
        tpu.vector_store %arg5[%swap3A_590, %swap3A_591], %swap3A_594 {strides = array<i32>} : memref<2x9216xf32, #tpu.memory_space<vmem>>, vector<1x16xf32>,
        %add3A_595 = arith.constant 6144 : i32
        %add3A_596 = arith.addi %add3A_595, %mul3A_502 : i32
        %swap3A_597 = arith.constant 0 : i32
        %swap3A_598 = arith.index_cast %swap3A_597 : i32 to index
        %swap3A_599 = arith.index_cast %add3A_596 : i32 to index
        %swap3A_600 = tpu.vector_load %arg5[%swap3A_598, %swap3A_599] {strides = array<i32>} : memref<2x9216xf32, #tpu.memory_space<vmem>>, vector<1x16xf32>,
        %swap3A_601 = vector.shape_cast %swap3A_600 : vector<1x16xf32> to vector<16xf32>
        %swap3A_602 = vector.shape_cast %mul3A_580 : vector<16xf32> to vector<1x16xf32>
        tpu.vector_store %arg5[%swap3A_598, %swap3A_599], %swap3A_602 {strides = array<i32>} : memref<2x9216xf32, #tpu.memory_space<vmem>>, vector<1x16xf32>,
      }
      %scan3A_109 = arith.constant 192 : i32
      %add3A_110 = arith.addi %mul3A_2, %mul3A_83 : i32
      %dma_start3A_111 = arith.constant 0 : i32
      %dma_start3A_112 = arith.constant 0 : i32
      %dma_start3A_113 = arith.constant 0 : i32
      %dma_start3A_114 = tpu.memref_slice %arg5[%dma_start3A_111, %dma_start3A_113] : memref<2x9216xf32, #tpu.memory_space<vmem>> -> memref<1x9216xf32, #tpu.memory_space<vmem>>
      %dma_start3A_115 = tpu.memref_squeeze %dma_start3A_114 : memref<1x9216xf32, #tpu.memory_space<vmem>> -> memref<9216xf32, #tpu.memory_space<vmem>>
      %dma_start3A_116 = arith.constant 0 : i32
      %dma_start3A_117 = tpu.memref_slice %arg3[%add3A_110, %dma_start3A_116] : memref<1024x9216xf32, #tpu.memory_space<hbm>> -> memref<1x9216xf32, #tpu.memory_space<hbm>>
      %dma_start3A_118 = tpu.memref_squeeze %dma_start3A_117 : memref<1x9216xf32, #tpu.memory_space<hbm>> -> memref<9216xf32, #tpu.memory_space<hbm>>
      %dma_start3A_119 = tpu.memref_slice %arg7[%dma_start3A_112] : memref<2x!tpu.dma_semaphore, #tpu.memory_space<semaphore_mem>> -> memref<1x!tpu.dma_semaphore, #tpu.memory_space<semaphore_mem>>
      %dma_start3A_120 = tpu.memref_squeeze %dma_start3A_119 : memref<1x!tpu.dma_semaphore, #tpu.memory_space<semaphore_mem>> -> memref<!tpu.dma_semaphore, #tpu.memory_space<semaphore_mem>>
      %dma_start3A_121 = arith.constant 0 : i32
      %dma_start3A_122 = tpu.memref_slice %arg3[%add3A_110, %dma_start3A_121] : memref<1024x9216xf32, #tpu.memory_space<hbm>> -> memref<1x9216xf32, #tpu.memory_space<hbm>>
      %dma_start3A_123 = tpu.memref_squeeze %dma_start3A_122 : memref<1x9216xf32, #tpu.memory_space<hbm>> -> memref<9216xf32, #tpu.memory_space<hbm>>
      %dma_start3A_124 = arith.constant 0 : i32
      %dma_start3A_125 = tpu.memref_slice %arg5[%dma_start3A_111, %dma_start3A_124] : memref<2x9216xf32, #tpu.memory_space<vmem>> -> memref<1x9216xf32, #tpu.memory_space<vmem>>
      %dma_start3A_126 = tpu.memref_squeeze %dma_start3A_125 : memref<1x9216xf32, #tpu.memory_space<vmem>> -> memref<9216xf32, #tpu.memory_space<vmem>>
      tpu.enqueue_dma source(%dma_start3A_126 : memref<9216xf32, #tpu.memory_space<vmem>>) target(%dma_start3A_123 : memref<9216xf32, #tpu.memory_space<hbm>>) target_semaphore(%dma_start3A_120 : memref<!tpu.dma_semaphore, #tpu.memory_space<semaphore_mem>>)
      %add3A_127 = arith.constant 2 : i32
      %add3A_128 = arith.addi %mul3A_83, %add3A_127 : i32
      %lt3A = arith.constant 32 : i32
      %lt3A_129 = arith.cmpi slt, %add3A_128, %lt3A : i32
      %convert_element_type3A_130 = arith.extui %lt3A_129 : i1 to i32
      %cond3A_131 = arith.constant 0 : i32
      %cond3A_132 = arith.cmpi ne, %convert_element_type3A_130, %cond3A_131 : i32
      scf.if %cond3A_132 {
        %add3A_190 = arith.constant 2 : i32
        %add3A_191 = arith.addi %mul3A_83, %add3A_190 : i32
        %add3A_192 = arith.addi %mul3A_2, %add3A_191 : i32
        %mul3A_193 = arith.constant 9 : i32
        %mul3A_194 = arith.muli %add3A_192, %mul3A_193 : i32
        %dma_start3A_195 = arith.constant 0 : i32
        %dma_start3A_196 = arith.constant 0 : i32
        %dma_start3A_197 = arith.constant 0 : i32
        %dma_start3A_198 = arith.constant 0 : i32
        %dma_start3A_199 = tpu.memref_slice %arg4[%dma_start3A_195, %dma_start3A_197, %dma_start3A_198] : memref<2x9x3072xf32, #tpu.memory_space<vmem>> -> memref<1x9x3072xf32, #tpu.memory_space<vmem>>
        %dma_start3A_200 = tpu.memref_squeeze %dma_start3A_199 : memref<1x9x3072xf32, #tpu.memory_space<vmem>> -> memref<9x3072xf32, #tpu.memory_space<vmem>>
        %dma_start3A_201 = arith.constant 0 : i32
        %dma_start3A_202 = tpu.memref_slice %arg2[%mul3A_194, %dma_start3A_201] : memref<9216x3072xf32, #tpu.memory_space<hbm>> -> memref<9x3072xf32, #tpu.memory_space<hbm>>
        %dma_start3A_203 = tpu.memref_slice %arg6[%dma_start3A_196] : memref<2x!tpu.dma_semaphore, #tpu.memory_space<semaphore_mem>> -> memref<1x!tpu.dma_semaphore, #tpu.memory_space<semaphore_mem>>
        %dma_start3A_204 = tpu.memref_squeeze %dma_start3A_203 : memref<1x!tpu.dma_semaphore, #tpu.memory_space<semaphore_mem>> -> memref<!tpu.dma_semaphore, #tpu.memory_space<semaphore_mem>>
        %dma_start3A_205 = arith.constant 0 : i32
        %dma_start3A_206 = arith.constant 0 : i32
        %dma_start3A_207 = tpu.memref_slice %arg4[%dma_start3A_195, %dma_start3A_205, %dma_start3A_206] : memref<2x9x3072xf32, #tpu.memory_space<vmem>> -> memref<1x9x3072xf32, #tpu.memory_space<vmem>>
        %dma_start3A_208 = tpu.memref_squeeze %dma_start3A_207 : memref<1x9x3072xf32, #tpu.memory_space<vmem>> -> memref<9x3072xf32, #tpu.memory_space<vmem>>
        %dma_start3A_209 = arith.constant 0 : i32
        %dma_start3A_210 = tpu.memref_slice %arg2[%mul3A_194, %dma_start3A_209] : memref<9216x3072xf32, #tpu.memory_space<hbm>> -> memref<9x3072xf32, #tpu.memory_space<hbm>>
        tpu.enqueue_dma source(%dma_start3A_210 : memref<9x3072xf32, #tpu.memory_space<hbm>>) target(%dma_start3A_208 : memref<9x3072xf32, #tpu.memory_space<vmem>>) target_semaphore(%dma_start3A_204 : memref<!tpu.dma_semaphore, #tpu.memory_space<semaphore_mem>>)
      } else {
      }
      %mul3A_133 = arith.constant 2 : i32
      %mul3A_134 = arith.muli %mul3A_133, %scan3A_81 : i32
      %add3A_135 = arith.constant 1 : i32
      %add3A_136 = arith.addi %mul3A_134, %add3A_135 : i32
      %add3A_137 = arith.addi %mul3A_2, %add3A_136 : i32
      %mul3A_138 = arith.constant 9 : i32
      %mul3A_139 = arith.muli %add3A_137, %mul3A_138 : i32
      %dma_wait3A_140 = arith.constant 1 : i32
      %dma_wait3A_141 = arith.constant 1 : i32
      %dma_wait3A_142 = arith.constant 0 : i32
      %dma_wait3A_143 = arith.constant 0 : i32
      %dma_wait3A_144 = tpu.memref_slice %arg4[%dma_wait3A_140, %dma_wait3A_142, %dma_wait3A_143] : memref<2x9x3072xf32, #tpu.memory_space<vmem>> -> memref<1x9x3072xf32, #tpu.memory_space<vmem>>
      %dma_wait3A_145 = tpu.memref_squeeze %dma_wait3A_144 : memref<1x9x3072xf32, #tpu.memory_space<vmem>> -> memref<9x3072xf32, #tpu.memory_space<vmem>>
      %dma_wait3A_146 = arith.constant 0 : i32
      %dma_wait3A_147 = tpu.memref_slice %arg2[%mul3A_139, %dma_wait3A_146] : memref<9216x3072xf32, #tpu.memory_space<hbm>> -> memref<9x3072xf32, #tpu.memory_space<hbm>>
      %dma_wait3A_148 = tpu.memref_slice %arg6[%dma_wait3A_141] : memref<2x!tpu.dma_semaphore, #tpu.memory_space<semaphore_mem>> -> memref<1x!tpu.dma_semaphore, #tpu.memory_space<semaphore_mem>>
      %dma_wait3A_149 = tpu.memref_squeeze %dma_wait3A_148 : memref<1x!tpu.dma_semaphore, #tpu.memory_space<semaphore_mem>> -> memref<!tpu.dma_semaphore, #tpu.memory_space<semaphore_mem>>
      %dma_wait3A_150 = arith.constant 0 : i32
      %dma_wait3A_151 = arith.constant 0 : i32
      %dma_wait3A_152 = tpu.memref_slice %arg4[%dma_wait3A_140, %dma_wait3A_150, %dma_wait3A_151] : memref<2x9x3072xf32, #tpu.memory_space<vmem>> -> memref<1x9x3072xf32, #tpu.memory_space<vmem>>
      %dma_wait3A_153 = tpu.memref_squeeze %dma_wait3A_152 : memref<1x9x3072xf32, #tpu.memory_space<vmem>> -> memref<9x3072xf32, #tpu.memory_space<vmem>>
      %dma_wait3A_154 = arith.constant 0 : i32
      %dma_wait3A_155 = tpu.memref_slice %arg2[%mul3A_139, %dma_wait3A_154] : memref<9216x3072xf32, #tpu.memory_space<hbm>> -> memref<9x3072xf32, #tpu.memory_space<hbm>>
      tpu.wait_dma2 semaphore(%dma_wait3A_149 : memref<!tpu.dma_semaphore, #tpu.memory_space<semaphore_mem>>) src(%dma_wait3A_155 : memref<9x3072xf32, #tpu.memory_space<hbm>>) dst(%dma_wait3A_153 : memref<9x3072xf32, #tpu.memory_space<vmem>>)
      %ge3A_156 = arith.constant 2 : i32
      %ge3A_157 = arith.cmpi sge, %add3A_136, %ge3A_156 : i32
      %convert_element_type3A_158 = arith.extui %ge3A_157 : i1 to i32
      %cond3A_159 = arith.constant 0 : i32
      %cond3A_160 = arith.cmpi ne, %convert_element_type3A_158, %cond3A_159 : i32
      scf.if %cond3A_160 {
        %sub3A = arith.constant 2 : i32
        %sub3A_190 = arith.subi %add3A_136, %sub3A : i32
        %add3A_191 = arith.addi %mul3A_2, %sub3A_190 : i32
        %dma_wait3A_192 = arith.constant 1 : i32
        %dma_wait3A_193 = arith.constant 1 : i32
        %dma_wait3A_194 = arith.constant 0 : i32
        %dma_wait3A_195 = tpu.memref_slice %arg5[%dma_wait3A_192, %dma_wait3A_194] : memref<2x9216xf32, #tpu.memory_space<vmem>> -> memref<1x9216xf32, #tpu.memory_space<vmem>>
        %dma_wait3A_196 = tpu.memref_squeeze %dma_wait3A_195 : memref<1x9216xf32, #tpu.memory_space<vmem>> -> memref<9216xf32, #tpu.memory_space<vmem>>
        %dma_wait3A_197 = arith.constant 0 : i32
        %dma_wait3A_198 = tpu.memref_slice %arg3[%add3A_191, %dma_wait3A_197] : memref<1024x9216xf32, #tpu.memory_space<hbm>> -> memref<1x9216xf32, #tpu.memory_space<hbm>>
        %dma_wait3A_199 = tpu.memref_squeeze %dma_wait3A_198 : memref<1x9216xf32, #tpu.memory_space<hbm>> -> memref<9216xf32, #tpu.memory_space<hbm>>
        %dma_wait3A_200 = tpu.memref_slice %arg7[%dma_wait3A_193] : memref<2x!tpu.dma_semaphore, #tpu.memory_space<semaphore_mem>> -> memref<1x!tpu.dma_semaphore, #tpu.memory_space<semaphore_mem>>
        %dma_wait3A_201 = tpu.memref_squeeze %dma_wait3A_200 : memref<1x!tpu.dma_semaphore, #tpu.memory_space<semaphore_mem>> -> memref<!tpu.dma_semaphore, #tpu.memory_space<semaphore_mem>>
        %dma_wait3A_202 = arith.constant 0 : i32
        %dma_wait3A_203 = tpu.memref_slice %arg3[%add3A_191, %dma_wait3A_202] : memref<1024x9216xf32, #tpu.memory_space<hbm>> -> memref<1x9216xf32, #tpu.memory_space<hbm>>
        %dma_wait3A_204 = tpu.memref_squeeze %dma_wait3A_203 : memref<1x9216xf32, #tpu.memory_space<hbm>> -> memref<9216xf32, #tpu.memory_space<hbm>>
        %dma_wait3A_205 = arith.constant 0 : i32
        %dma_wait3A_206 = tpu.memref_slice %arg5[%dma_wait3A_192, %dma_wait3A_205] : memref<2x9216xf32, #tpu.memory_space<vmem>> -> memref<1x9216xf32, #tpu.memory_space<vmem>>
        %dma_wait3A_207 = tpu.memref_squeeze %dma_wait3A_206 : memref<1x9216xf32, #tpu.memory_space<vmem>> -> memref<9216xf32, #tpu.memory_space<vmem>>
        tpu.wait_dma2 semaphore(%dma_wait3A_201 : memref<!tpu.dma_semaphore, #tpu.memory_space<semaphore_mem>>) src(%dma_wait3A_207 : memref<9216xf32, #tpu.memory_space<vmem>>) dst(%dma_wait3A_204 : memref<9216xf32, #tpu.memory_space<hbm>>)
      } else {
      }
      %scan3A_161 = arith.constant 0 : i32
      %scan3A_162 = arith.constant 192 : i32
      %scan3A_163 = arith.addi %scan3A_161, %scan3A_162 : i32
      %scan3A_164 = arith.constant 4 : i32
      scf.for %scan3A_190 = %scan3A_161 to %scan3A_163 step %scan3A_164  : i32 {
        %mul3A_191 = arith.constant 16 : i32
        %mul3A_192 = arith.muli %scan3A_190, %mul3A_191 : i32
        %get3A = arith.constant 1 : i32
        %get3A_193 = arith.constant 0 : i32
        %get3A_194 = arith.index_cast %get3A : i32 to index
        %get3A_195 = arith.index_cast %get3A_193 : i32 to index
        %get3A_196 = arith.index_cast %mul3A_192 : i32 to index
        %get3A_197 = tpu.vector_load %arg4[%get3A_194, %get3A_195, %get3A_196] {strides = array<i32>} : memref<2x9x3072xf32, #tpu.memory_space<vmem>>, vector<1x1x16xf32>,
        %get3A_198 = vector.shape_cast %get3A_197 : vector<1x1x16xf32> to vector<16xf32>
        %get3A_199 = arith.constant 1 : i32
        %get3A_200 = arith.constant 1 : i32
        %get3A_201 = arith.index_cast %get3A_199 : i32 to index
        %get3A_202 = arith.index_cast %get3A_200 : i32 to index
        %get3A_203 = arith.index_cast %mul3A_192 : i32 to index
        %get3A_204 = tpu.vector_load %arg4[%get3A_201, %get3A_202, %get3A_203] {strides = array<i32>} : memref<2x9x3072xf32, #tpu.memory_space<vmem>>, vector<1x1x16xf32>,
        %get3A_205 = vector.shape_cast %get3A_204 : vector<1x1x16xf32> to vector<16xf32>
        %get3A_206 = arith.constant 1 : i32
        %get3A_207 = arith.constant 2 : i32
        %get3A_208 = arith.index_cast %get3A_206 : i32 to index
        %get3A_209 = arith.index_cast %get3A_207 : i32 to index
        %get3A_210 = arith.index_cast %mul3A_192 : i32 to index
        %get3A_211 = tpu.vector_load %arg4[%get3A_208, %get3A_209, %get3A_210] {strides = array<i32>} : memref<2x9x3072xf32, #tpu.memory_space<vmem>>, vector<1x1x16xf32>,
        %get3A_212 = vector.shape_cast %get3A_211 : vector<1x1x16xf32> to vector<16xf32>
        %get3A_213 = arith.constant 1 : i32
        %get3A_214 = arith.constant 3 : i32
        %get3A_215 = arith.index_cast %get3A_213 : i32 to index
        %get3A_216 = arith.index_cast %get3A_214 : i32 to index
        %get3A_217 = arith.index_cast %mul3A_192 : i32 to index
        %get3A_218 = tpu.vector_load %arg4[%get3A_215, %get3A_216, %get3A_217] {strides = array<i32>} : memref<2x9x3072xf32, #tpu.memory_space<vmem>>, vector<1x1x16xf32>,
        %get3A_219 = vector.shape_cast %get3A_218 : vector<1x1x16xf32> to vector<16xf32>
        %get3A_220 = arith.constant 1 : i32
        %get3A_221 = arith.constant 4 : i32
        %get3A_222 = arith.index_cast %get3A_220 : i32 to index
        %get3A_223 = arith.index_cast %get3A_221 : i32 to index
        %get3A_224 = arith.index_cast %mul3A_192 : i32 to index
        %get3A_225 = tpu.vector_load %arg4[%get3A_222, %get3A_223, %get3A_224] {strides = array<i32>} : memref<2x9x3072xf32, #tpu.memory_space<vmem>>, vector<1x1x16xf32>,
        %get3A_226 = vector.shape_cast %get3A_225 : vector<1x1x16xf32> to vector<16xf32>
        %get3A_227 = arith.constant 1 : i32
        %get3A_228 = arith.constant 5 : i32
        %get3A_229 = arith.index_cast %get3A_227 : i32 to index
        %get3A_230 = arith.index_cast %get3A_228 : i32 to index
        %get3A_231 = arith.index_cast %mul3A_192 : i32 to index
        %get3A_232 = tpu.vector_load %arg4[%get3A_229, %get3A_230, %get3A_231] {strides = array<i32>} : memref<2x9x3072xf32, #tpu.memory_space<vmem>>, vector<1x1x16xf32>,
        %get3A_233 = vector.shape_cast %get3A_232 : vector<1x1x16xf32> to vector<16xf32>
        %get3A_234 = arith.constant 1 : i32
        %get3A_235 = arith.constant 6 : i32
        %get3A_236 = arith.index_cast %get3A_234 : i32 to index
        %get3A_237 = arith.index_cast %get3A_235 : i32 to index
        %get3A_238 = arith.index_cast %mul3A_192 : i32 to index
        %get3A_239 = tpu.vector_load %arg4[%get3A_236, %get3A_237, %get3A_238] {strides = array<i32>} : memref<2x9x3072xf32, #tpu.memory_space<vmem>>, vector<1x1x16xf32>,
        %get3A_240 = vector.shape_cast %get3A_239 : vector<1x1x16xf32> to vector<16xf32>
        %get3A_241 = arith.constant 1 : i32
        %get3A_242 = arith.constant 7 : i32
        %get3A_243 = arith.index_cast %get3A_241 : i32 to index
        %get3A_244 = arith.index_cast %get3A_242 : i32 to index
        %get3A_245 = arith.index_cast %mul3A_192 : i32 to index
        %get3A_246 = tpu.vector_load %arg4[%get3A_243, %get3A_244, %get3A_245] {strides = array<i32>} : memref<2x9x3072xf32, #tpu.memory_space<vmem>>, vector<1x1x16xf32>,
        %get3A_247 = vector.shape_cast %get3A_246 : vector<1x1x16xf32> to vector<16xf32>
        %get3A_248 = arith.constant 1 : i32
        %get3A_249 = arith.constant 8 : i32
        %get3A_250 = arith.index_cast %get3A_248 : i32 to index
        %get3A_251 = arith.index_cast %get3A_249 : i32 to index
        %get3A_252 = arith.index_cast %mul3A_192 : i32 to index
        %get3A_253 = tpu.vector_load %arg4[%get3A_250, %get3A_251, %get3A_252] {strides = array<i32>} : memref<2x9x3072xf32, #tpu.memory_space<vmem>>, vector<1x1x16xf32>,
        %get3A_254 = vector.shape_cast %get3A_253 : vector<1x1x16xf32> to vector<16xf32>
        %add3A_255 = arith.addf %get3A_198, %get3A_205 : vector<16xf32>
        %mul3A_256 = arith.constant 5.000000e-01 : f32
        %mul3A_257 = vector.broadcast %mul3A_256 : f32 to vector<16xf32>
        %mul3A_258 = arith.mulf %add3A_255, %mul3A_257 : vector<16xf32>
        %add3A_259 = arith.addf %get3A_212, %get3A_219 : vector<16xf32>
        %add3A_260 = arith.addf %add3A_259, %get3A_226 : vector<16xf32>
        %add3A_261 = arith.addf %add3A_260, %get3A_233 : vector<16xf32>
        %add3A_262 = arith.addf %add3A_261, %get3A_240 : vector<16xf32>
        %mul3A_263 = arith.constant 2.000000e-01 : f32
        %mul3A_264 = vector.broadcast %mul3A_263 : f32 to vector<16xf32>
        %mul3A_265 = arith.mulf %add3A_262, %mul3A_264 : vector<16xf32>
        %add3A_266 = arith.addf %get3A_247, %get3A_254 : vector<16xf32>
        %mul3A_267 = arith.constant 5.000000e-01 : f32
        %mul3A_268 = vector.broadcast %mul3A_267 : f32 to vector<16xf32>
        %mul3A_269 = arith.mulf %add3A_266, %mul3A_268 : vector<16xf32>
        %swap3A = arith.constant 1 : i32
        %swap3A_270 = arith.index_cast %swap3A : i32 to index
        %swap3A_271 = arith.index_cast %mul3A_192 : i32 to index
        %swap3A_272 = tpu.vector_load %arg5[%swap3A_270, %swap3A_271] {strides = array<i32>} : memref<2x9216xf32, #tpu.memory_space<vmem>>, vector<1x16xf32>,
        %swap3A_273 = vector.shape_cast %swap3A_272 : vector<1x16xf32> to vector<16xf32>
        %swap3A_274 = vector.shape_cast %mul3A_258 : vector<16xf32> to vector<1x16xf32>
        tpu.vector_store %arg5[%swap3A_270, %swap3A_271], %swap3A_274 {strides = array<i32>} : memref<2x9216xf32, #tpu.memory_space<vmem>>, vector<1x16xf32>,
        %add3A_275 = arith.constant 3072 : i32
        %add3A_276 = arith.addi %add3A_275, %mul3A_192 : i32
        %swap3A_277 = arith.constant 1 : i32
        %swap3A_278 = arith.index_cast %swap3A_277 : i32 to index
        %swap3A_279 = arith.index_cast %add3A_276 : i32 to index
        %swap3A_280 = tpu.vector_load %arg5[%swap3A_278, %swap3A_279] {strides = array<i32>} : memref<2x9216xf32, #tpu.memory_space<vmem>>, vector<1x16xf32>,
        %swap3A_281 = vector.shape_cast %swap3A_280 : vector<1x16xf32> to vector<16xf32>
        %swap3A_282 = vector.shape_cast %mul3A_265 : vector<16xf32> to vector<1x16xf32>
        tpu.vector_store %arg5[%swap3A_278, %swap3A_279], %swap3A_282 {strides = array<i32>} : memref<2x9216xf32, #tpu.memory_space<vmem>>, vector<1x16xf32>,
        %add3A_283 = arith.constant 6144 : i32
        %add3A_284 = arith.addi %add3A_283, %mul3A_192 : i32
        %swap3A_285 = arith.constant 1 : i32
        %swap3A_286 = arith.index_cast %swap3A_285 : i32 to index
        %swap3A_287 = arith.index_cast %add3A_284 : i32 to index
        %swap3A_288 = tpu.vector_load %arg5[%swap3A_286, %swap3A_287] {strides = array<i32>} : memref<2x9216xf32, #tpu.memory_space<vmem>>, vector<1x16xf32>,
        %swap3A_289 = vector.shape_cast %swap3A_288 : vector<1x16xf32> to vector<16xf32>
        %swap3A_290 = vector.shape_cast %mul3A_269 : vector<16xf32> to vector<1x16xf32>
        tpu.vector_store %arg5[%swap3A_286, %swap3A_287], %swap3A_290 {strides = array<i32>} : memref<2x9216xf32, #tpu.memory_space<vmem>>, vector<1x16xf32>,
        %scan3A_291 = arith.constant 1 : i32
        %scan3A_292 = arith.addi %scan3A_190, %scan3A_291 : i32
        %mul3A_293 = arith.constant 16 : i32
        %mul3A_294 = arith.muli %scan3A_292, %mul3A_293 : i32
        %get3A_295 = arith.constant 1 : i32
        %get3A_296 = arith.constant 0 : i32
        %get3A_297 = arith.index_cast %get3A_295 : i32 to index
        %get3A_298 = arith.index_cast %get3A_296 : i32 to index
        %get3A_299 = arith.index_cast %mul3A_294 : i32 to index
        %get3A_300 = tpu.vector_load %arg4[%get3A_297, %get3A_298, %get3A_299] {strides = array<i32>} : memref<2x9x3072xf32, #tpu.memory_space<vmem>>, vector<1x1x16xf32>,
        %get3A_301 = vector.shape_cast %get3A_300 : vector<1x1x16xf32> to vector<16xf32>
        %get3A_302 = arith.constant 1 : i32
        %get3A_303 = arith.constant 1 : i32
        %get3A_304 = arith.index_cast %get3A_302 : i32 to index
        %get3A_305 = arith.index_cast %get3A_303 : i32 to index
        %get3A_306 = arith.index_cast %mul3A_294 : i32 to index
        %get3A_307 = tpu.vector_load %arg4[%get3A_304, %get3A_305, %get3A_306] {strides = array<i32>} : memref<2x9x3072xf32, #tpu.memory_space<vmem>>, vector<1x1x16xf32>,
        %get3A_308 = vector.shape_cast %get3A_307 : vector<1x1x16xf32> to vector<16xf32>
        %get3A_309 = arith.constant 1 : i32
        %get3A_310 = arith.constant 2 : i32
        %get3A_311 = arith.index_cast %get3A_309 : i32 to index
        %get3A_312 = arith.index_cast %get3A_310 : i32 to index
        %get3A_313 = arith.index_cast %mul3A_294 : i32 to index
        %get3A_314 = tpu.vector_load %arg4[%get3A_311, %get3A_312, %get3A_313] {strides = array<i32>} : memref<2x9x3072xf32, #tpu.memory_space<vmem>>, vector<1x1x16xf32>,
        %get3A_315 = vector.shape_cast %get3A_314 : vector<1x1x16xf32> to vector<16xf32>
        %get3A_316 = arith.constant 1 : i32
        %get3A_317 = arith.constant 3 : i32
        %get3A_318 = arith.index_cast %get3A_316 : i32 to index
        %get3A_319 = arith.index_cast %get3A_317 : i32 to index
        %get3A_320 = arith.index_cast %mul3A_294 : i32 to index
        %get3A_321 = tpu.vector_load %arg4[%get3A_318, %get3A_319, %get3A_320] {strides = array<i32>} : memref<2x9x3072xf32, #tpu.memory_space<vmem>>, vector<1x1x16xf32>,
        %get3A_322 = vector.shape_cast %get3A_321 : vector<1x1x16xf32> to vector<16xf32>
        %get3A_323 = arith.constant 1 : i32
        %get3A_324 = arith.constant 4 : i32
        %get3A_325 = arith.index_cast %get3A_323 : i32 to index
        %get3A_326 = arith.index_cast %get3A_324 : i32 to index
        %get3A_327 = arith.index_cast %mul3A_294 : i32 to index
        %get3A_328 = tpu.vector_load %arg4[%get3A_325, %get3A_326, %get3A_327] {strides = array<i32>} : memref<2x9x3072xf32, #tpu.memory_space<vmem>>, vector<1x1x16xf32>,
        %get3A_329 = vector.shape_cast %get3A_328 : vector<1x1x16xf32> to vector<16xf32>
        %get3A_330 = arith.constant 1 : i32
        %get3A_331 = arith.constant 5 : i32
        %get3A_332 = arith.index_cast %get3A_330 : i32 to index
        %get3A_333 = arith.index_cast %get3A_331 : i32 to index
        %get3A_334 = arith.index_cast %mul3A_294 : i32 to index
        %get3A_335 = tpu.vector_load %arg4[%get3A_332, %get3A_333, %get3A_334] {strides = array<i32>} : memref<2x9x3072xf32, #tpu.memory_space<vmem>>, vector<1x1x16xf32>,
        %get3A_336 = vector.shape_cast %get3A_335 : vector<1x1x16xf32> to vector<16xf32>
        %get3A_337 = arith.constant 1 : i32
        %get3A_338 = arith.constant 6 : i32
        %get3A_339 = arith.index_cast %get3A_337 : i32 to index
        %get3A_340 = arith.index_cast %get3A_338 : i32 to index
        %get3A_341 = arith.index_cast %mul3A_294 : i32 to index
        %get3A_342 = tpu.vector_load %arg4[%get3A_339, %get3A_340, %get3A_341] {strides = array<i32>} : memref<2x9x3072xf32, #tpu.memory_space<vmem>>, vector<1x1x16xf32>,
        %get3A_343 = vector.shape_cast %get3A_342 : vector<1x1x16xf32> to vector<16xf32>
        %get3A_344 = arith.constant 1 : i32
        %get3A_345 = arith.constant 7 : i32
        %get3A_346 = arith.index_cast %get3A_344 : i32 to index
        %get3A_347 = arith.index_cast %get3A_345 : i32 to index
        %get3A_348 = arith.index_cast %mul3A_294 : i32 to index
        %get3A_349 = tpu.vector_load %arg4[%get3A_346, %get3A_347, %get3A_348] {strides = array<i32>} : memref<2x9x3072xf32, #tpu.memory_space<vmem>>, vector<1x1x16xf32>,
        %get3A_350 = vector.shape_cast %get3A_349 : vector<1x1x16xf32> to vector<16xf32>
        %get3A_351 = arith.constant 1 : i32
        %get3A_352 = arith.constant 8 : i32
        %get3A_353 = arith.index_cast %get3A_351 : i32 to index
        %get3A_354 = arith.index_cast %get3A_352 : i32 to index
        %get3A_355 = arith.index_cast %mul3A_294 : i32 to index
        %get3A_356 = tpu.vector_load %arg4[%get3A_353, %get3A_354, %get3A_355] {strides = array<i32>} : memref<2x9x3072xf32, #tpu.memory_space<vmem>>, vector<1x1x16xf32>,
        %get3A_357 = vector.shape_cast %get3A_356 : vector<1x1x16xf32> to vector<16xf32>
        %add3A_358 = arith.addf %get3A_301, %get3A_308 : vector<16xf32>
        %mul3A_359 = arith.constant 5.000000e-01 : f32
        %mul3A_360 = vector.broadcast %mul3A_359 : f32 to vector<16xf32>
        %mul3A_361 = arith.mulf %add3A_358, %mul3A_360 : vector<16xf32>
        %add3A_362 = arith.addf %get3A_315, %get3A_322 : vector<16xf32>
        %add3A_363 = arith.addf %add3A_362, %get3A_329 : vector<16xf32>
        %add3A_364 = arith.addf %add3A_363, %get3A_336 : vector<16xf32>
        %add3A_365 = arith.addf %add3A_364, %get3A_343 : vector<16xf32>
        %mul3A_366 = arith.constant 2.000000e-01 : f32
        %mul3A_367 = vector.broadcast %mul3A_366 : f32 to vector<16xf32>
        %mul3A_368 = arith.mulf %add3A_365, %mul3A_367 : vector<16xf32>
        %add3A_369 = arith.addf %get3A_350, %get3A_357 : vector<16xf32>
        %mul3A_370 = arith.constant 5.000000e-01 : f32
        %mul3A_371 = vector.broadcast %mul3A_370 : f32 to vector<16xf32>
        %mul3A_372 = arith.mulf %add3A_369, %mul3A_371 : vector<16xf32>
        %swap3A_373 = arith.constant 1 : i32
        %swap3A_374 = arith.index_cast %swap3A_373 : i32 to index
        %swap3A_375 = arith.index_cast %mul3A_294 : i32 to index
        %swap3A_376 = tpu.vector_load %arg5[%swap3A_374, %swap3A_375] {strides = array<i32>} : memref<2x9216xf32, #tpu.memory_space<vmem>>, vector<1x16xf32>,
        %swap3A_377 = vector.shape_cast %swap3A_376 : vector<1x16xf32> to vector<16xf32>
        %swap3A_378 = vector.shape_cast %mul3A_361 : vector<16xf32> to vector<1x16xf32>
        tpu.vector_store %arg5[%swap3A_374, %swap3A_375], %swap3A_378 {strides = array<i32>} : memref<2x9216xf32, #tpu.memory_space<vmem>>, vector<1x16xf32>,
        %add3A_379 = arith.constant 3072 : i32
        %add3A_380 = arith.addi %add3A_379, %mul3A_294 : i32
        %swap3A_381 = arith.constant 1 : i32
        %swap3A_382 = arith.index_cast %swap3A_381 : i32 to index
        %swap3A_383 = arith.index_cast %add3A_380 : i32 to index
        %swap3A_384 = tpu.vector_load %arg5[%swap3A_382, %swap3A_383] {strides = array<i32>} : memref<2x9216xf32, #tpu.memory_space<vmem>>, vector<1x16xf32>,
        %swap3A_385 = vector.shape_cast %swap3A_384 : vector<1x16xf32> to vector<16xf32>
        %swap3A_386 = vector.shape_cast %mul3A_368 : vector<16xf32> to vector<1x16xf32>
        tpu.vector_store %arg5[%swap3A_382, %swap3A_383], %swap3A_386 {strides = array<i32>} : memref<2x9216xf32, #tpu.memory_space<vmem>>, vector<1x16xf32>,
        %add3A_387 = arith.constant 6144 : i32
        %add3A_388 = arith.addi %add3A_387, %mul3A_294 : i32
        %swap3A_389 = arith.constant 1 : i32
        %swap3A_390 = arith.index_cast %swap3A_389 : i32 to index
        %swap3A_391 = arith.index_cast %add3A_388 : i32 to index
        %swap3A_392 = tpu.vector_load %arg5[%swap3A_390, %swap3A_391] {strides = array<i32>} : memref<2x9216xf32, #tpu.memory_space<vmem>>, vector<1x16xf32>,
        %swap3A_393 = vector.shape_cast %swap3A_392 : vector<1x16xf32> to vector<16xf32>
        %swap3A_394 = vector.shape_cast %mul3A_372 : vector<16xf32> to vector<1x16xf32>
        tpu.vector_store %arg5[%swap3A_390, %swap3A_391], %swap3A_394 {strides = array<i32>} : memref<2x9216xf32, #tpu.memory_space<vmem>>, vector<1x16xf32>,
        %scan3A_395 = arith.constant 2 : i32
        %scan3A_396 = arith.addi %scan3A_190, %scan3A_395 : i32
        %mul3A_397 = arith.constant 16 : i32
        %mul3A_398 = arith.muli %scan3A_396, %mul3A_397 : i32
        %get3A_399 = arith.constant 1 : i32
        %get3A_400 = arith.constant 0 : i32
        %get3A_401 = arith.index_cast %get3A_399 : i32 to index
        %get3A_402 = arith.index_cast %get3A_400 : i32 to index
        %get3A_403 = arith.index_cast %mul3A_398 : i32 to index
        %get3A_404 = tpu.vector_load %arg4[%get3A_401, %get3A_402, %get3A_403] {strides = array<i32>} : memref<2x9x3072xf32, #tpu.memory_space<vmem>>, vector<1x1x16xf32>,
        %get3A_405 = vector.shape_cast %get3A_404 : vector<1x1x16xf32> to vector<16xf32>
        %get3A_406 = arith.constant 1 : i32
        %get3A_407 = arith.constant 1 : i32
        %get3A_408 = arith.index_cast %get3A_406 : i32 to index
        %get3A_409 = arith.index_cast %get3A_407 : i32 to index
        %get3A_410 = arith.index_cast %mul3A_398 : i32 to index
        %get3A_411 = tpu.vector_load %arg4[%get3A_408, %get3A_409, %get3A_410] {strides = array<i32>} : memref<2x9x3072xf32, #tpu.memory_space<vmem>>, vector<1x1x16xf32>,
        %get3A_412 = vector.shape_cast %get3A_411 : vector<1x1x16xf32> to vector<16xf32>
        %get3A_413 = arith.constant 1 : i32
        %get3A_414 = arith.constant 2 : i32
        %get3A_415 = arith.index_cast %get3A_413 : i32 to index
        %get3A_416 = arith.index_cast %get3A_414 : i32 to index
        %get3A_417 = arith.index_cast %mul3A_398 : i32 to index
        %get3A_418 = tpu.vector_load %arg4[%get3A_415, %get3A_416, %get3A_417] {strides = array<i32>} : memref<2x9x3072xf32, #tpu.memory_space<vmem>>, vector<1x1x16xf32>,
        %get3A_419 = vector.shape_cast %get3A_418 : vector<1x1x16xf32> to vector<16xf32>
        %get3A_420 = arith.constant 1 : i32
        %get3A_421 = arith.constant 3 : i32
        %get3A_422 = arith.index_cast %get3A_420 : i32 to index
        %get3A_423 = arith.index_cast %get3A_421 : i32 to index
        %get3A_424 = arith.index_cast %mul3A_398 : i32 to index
        %get3A_425 = tpu.vector_load %arg4[%get3A_422, %get3A_423, %get3A_424] {strides = array<i32>} : memref<2x9x3072xf32, #tpu.memory_space<vmem>>, vector<1x1x16xf32>,
        %get3A_426 = vector.shape_cast %get3A_425 : vector<1x1x16xf32> to vector<16xf32>
        %get3A_427 = arith.constant 1 : i32
        %get3A_428 = arith.constant 4 : i32
        %get3A_429 = arith.index_cast %get3A_427 : i32 to index
        %get3A_430 = arith.index_cast %get3A_428 : i32 to index
        %get3A_431 = arith.index_cast %mul3A_398 : i32 to index
        %get3A_432 = tpu.vector_load %arg4[%get3A_429, %get3A_430, %get3A_431] {strides = array<i32>} : memref<2x9x3072xf32, #tpu.memory_space<vmem>>, vector<1x1x16xf32>,
        %get3A_433 = vector.shape_cast %get3A_432 : vector<1x1x16xf32> to vector<16xf32>
        %get3A_434 = arith.constant 1 : i32
        %get3A_435 = arith.constant 5 : i32
        %get3A_436 = arith.index_cast %get3A_434 : i32 to index
        %get3A_437 = arith.index_cast %get3A_435 : i32 to index
        %get3A_438 = arith.index_cast %mul3A_398 : i32 to index
        %get3A_439 = tpu.vector_load %arg4[%get3A_436, %get3A_437, %get3A_438] {strides = array<i32>} : memref<2x9x3072xf32, #tpu.memory_space<vmem>>, vector<1x1x16xf32>,
        %get3A_440 = vector.shape_cast %get3A_439 : vector<1x1x16xf32> to vector<16xf32>
        %get3A_441 = arith.constant 1 : i32
        %get3A_442 = arith.constant 6 : i32
        %get3A_443 = arith.index_cast %get3A_441 : i32 to index
        %get3A_444 = arith.index_cast %get3A_442 : i32 to index
        %get3A_445 = arith.index_cast %mul3A_398 : i32 to index
        %get3A_446 = tpu.vector_load %arg4[%get3A_443, %get3A_444, %get3A_445] {strides = array<i32>} : memref<2x9x3072xf32, #tpu.memory_space<vmem>>, vector<1x1x16xf32>,
        %get3A_447 = vector.shape_cast %get3A_446 : vector<1x1x16xf32> to vector<16xf32>
        %get3A_448 = arith.constant 1 : i32
        %get3A_449 = arith.constant 7 : i32
        %get3A_450 = arith.index_cast %get3A_448 : i32 to index
        %get3A_451 = arith.index_cast %get3A_449 : i32 to index
        %get3A_452 = arith.index_cast %mul3A_398 : i32 to index
        %get3A_453 = tpu.vector_load %arg4[%get3A_450, %get3A_451, %get3A_452] {strides = array<i32>} : memref<2x9x3072xf32, #tpu.memory_space<vmem>>, vector<1x1x16xf32>,
        %get3A_454 = vector.shape_cast %get3A_453 : vector<1x1x16xf32> to vector<16xf32>
        %get3A_455 = arith.constant 1 : i32
        %get3A_456 = arith.constant 8 : i32
        %get3A_457 = arith.index_cast %get3A_455 : i32 to index
        %get3A_458 = arith.index_cast %get3A_456 : i32 to index
        %get3A_459 = arith.index_cast %mul3A_398 : i32 to index
        %get3A_460 = tpu.vector_load %arg4[%get3A_457, %get3A_458, %get3A_459] {strides = array<i32>} : memref<2x9x3072xf32, #tpu.memory_space<vmem>>, vector<1x1x16xf32>,
        %get3A_461 = vector.shape_cast %get3A_460 : vector<1x1x16xf32> to vector<16xf32>
        %add3A_462 = arith.addf %get3A_405, %get3A_412 : vector<16xf32>
        %mul3A_463 = arith.constant 5.000000e-01 : f32
        %mul3A_464 = vector.broadcast %mul3A_463 : f32 to vector<16xf32>
        %mul3A_465 = arith.mulf %add3A_462, %mul3A_464 : vector<16xf32>
        %add3A_466 = arith.addf %get3A_419, %get3A_426 : vector<16xf32>
        %add3A_467 = arith.addf %add3A_466, %get3A_433 : vector<16xf32>
        %add3A_468 = arith.addf %add3A_467, %get3A_440 : vector<16xf32>
        %add3A_469 = arith.addf %add3A_468, %get3A_447 : vector<16xf32>
        %mul3A_470 = arith.constant 2.000000e-01 : f32
        %mul3A_471 = vector.broadcast %mul3A_470 : f32 to vector<16xf32>
        %mul3A_472 = arith.mulf %add3A_469, %mul3A_471 : vector<16xf32>
        %add3A_473 = arith.addf %get3A_454, %get3A_461 : vector<16xf32>
        %mul3A_474 = arith.constant 5.000000e-01 : f32
        %mul3A_475 = vector.broadcast %mul3A_474 : f32 to vector<16xf32>
        %mul3A_476 = arith.mulf %add3A_473, %mul3A_475 : vector<16xf32>
        %swap3A_477 = arith.constant 1 : i32
        %swap3A_478 = arith.index_cast %swap3A_477 : i32 to index
        %swap3A_479 = arith.index_cast %mul3A_398 : i32 to index
        %swap3A_480 = tpu.vector_load %arg5[%swap3A_478, %swap3A_479] {strides = array<i32>} : memref<2x9216xf32, #tpu.memory_space<vmem>>, vector<1x16xf32>,
        %swap3A_481 = vector.shape_cast %swap3A_480 : vector<1x16xf32> to vector<16xf32>
        %swap3A_482 = vector.shape_cast %mul3A_465 : vector<16xf32> to vector<1x16xf32>
        tpu.vector_store %arg5[%swap3A_478, %swap3A_479], %swap3A_482 {strides = array<i32>} : memref<2x9216xf32, #tpu.memory_space<vmem>>, vector<1x16xf32>,
        %add3A_483 = arith.constant 3072 : i32
        %add3A_484 = arith.addi %add3A_483, %mul3A_398 : i32
        %swap3A_485 = arith.constant 1 : i32
        %swap3A_486 = arith.index_cast %swap3A_485 : i32 to index
        %swap3A_487 = arith.index_cast %add3A_484 : i32 to index
        %swap3A_488 = tpu.vector_load %arg5[%swap3A_486, %swap3A_487] {strides = array<i32>} : memref<2x9216xf32, #tpu.memory_space<vmem>>, vector<1x16xf32>,
        %swap3A_489 = vector.shape_cast %swap3A_488 : vector<1x16xf32> to vector<16xf32>
        %swap3A_490 = vector.shape_cast %mul3A_472 : vector<16xf32> to vector<1x16xf32>
        tpu.vector_store %arg5[%swap3A_486, %swap3A_487], %swap3A_490 {strides = array<i32>} : memref<2x9216xf32, #tpu.memory_space<vmem>>, vector<1x16xf32>,
        %add3A_491 = arith.constant 6144 : i32
        %add3A_492 = arith.addi %add3A_491, %mul3A_398 : i32
        %swap3A_493 = arith.constant 1 : i32
        %swap3A_494 = arith.index_cast %swap3A_493 : i32 to index
        %swap3A_495 = arith.index_cast %add3A_492 : i32 to index
        %swap3A_496 = tpu.vector_load %arg5[%swap3A_494, %swap3A_495] {strides = array<i32>} : memref<2x9216xf32, #tpu.memory_space<vmem>>, vector<1x16xf32>,
        %swap3A_497 = vector.shape_cast %swap3A_496 : vector<1x16xf32> to vector<16xf32>
        %swap3A_498 = vector.shape_cast %mul3A_476 : vector<16xf32> to vector<1x16xf32>
        tpu.vector_store %arg5[%swap3A_494, %swap3A_495], %swap3A_498 {strides = array<i32>} : memref<2x9216xf32, #tpu.memory_space<vmem>>, vector<1x16xf32>,
        %scan3A_499 = arith.constant 3 : i32
        %scan3A_500 = arith.addi %scan3A_190, %scan3A_499 : i32
        %mul3A_501 = arith.constant 16 : i32
        %mul3A_502 = arith.muli %scan3A_500, %mul3A_501 : i32
        %get3A_503 = arith.constant 1 : i32
        %get3A_504 = arith.constant 0 : i32
        %get3A_505 = arith.index_cast %get3A_503 : i32 to index
        %get3A_506 = arith.index_cast %get3A_504 : i32 to index
        %get3A_507 = arith.index_cast %mul3A_502 : i32 to index
        %get3A_508 = tpu.vector_load %arg4[%get3A_505, %get3A_506, %get3A_507] {strides = array<i32>} : memref<2x9x3072xf32, #tpu.memory_space<vmem>>, vector<1x1x16xf32>,
        %get3A_509 = vector.shape_cast %get3A_508 : vector<1x1x16xf32> to vector<16xf32>
        %get3A_510 = arith.constant 1 : i32
        %get3A_511 = arith.constant 1 : i32
        %get3A_512 = arith.index_cast %get3A_510 : i32 to index
        %get3A_513 = arith.index_cast %get3A_511 : i32 to index
        %get3A_514 = arith.index_cast %mul3A_502 : i32 to index
        %get3A_515 = tpu.vector_load %arg4[%get3A_512, %get3A_513, %get3A_514] {strides = array<i32>} : memref<2x9x3072xf32, #tpu.memory_space<vmem>>, vector<1x1x16xf32>,
        %get3A_516 = vector.shape_cast %get3A_515 : vector<1x1x16xf32> to vector<16xf32>
        %get3A_517 = arith.constant 1 : i32
        %get3A_518 = arith.constant 2 : i32
        %get3A_519 = arith.index_cast %get3A_517 : i32 to index
        %get3A_520 = arith.index_cast %get3A_518 : i32 to index
        %get3A_521 = arith.index_cast %mul3A_502 : i32 to index
        %get3A_522 = tpu.vector_load %arg4[%get3A_519, %get3A_520, %get3A_521] {strides = array<i32>} : memref<2x9x3072xf32, #tpu.memory_space<vmem>>, vector<1x1x16xf32>,
        %get3A_523 = vector.shape_cast %get3A_522 : vector<1x1x16xf32> to vector<16xf32>
        %get3A_524 = arith.constant 1 : i32
        %get3A_525 = arith.constant 3 : i32
        %get3A_526 = arith.index_cast %get3A_524 : i32 to index
        %get3A_527 = arith.index_cast %get3A_525 : i32 to index
        %get3A_528 = arith.index_cast %mul3A_502 : i32 to index
        %get3A_529 = tpu.vector_load %arg4[%get3A_526, %get3A_527, %get3A_528] {strides = array<i32>} : memref<2x9x3072xf32, #tpu.memory_space<vmem>>, vector<1x1x16xf32>,
        %get3A_530 = vector.shape_cast %get3A_529 : vector<1x1x16xf32> to vector<16xf32>
        %get3A_531 = arith.constant 1 : i32
        %get3A_532 = arith.constant 4 : i32
        %get3A_533 = arith.index_cast %get3A_531 : i32 to index
        %get3A_534 = arith.index_cast %get3A_532 : i32 to index
        %get3A_535 = arith.index_cast %mul3A_502 : i32 to index
        %get3A_536 = tpu.vector_load %arg4[%get3A_533, %get3A_534, %get3A_535] {strides = array<i32>} : memref<2x9x3072xf32, #tpu.memory_space<vmem>>, vector<1x1x16xf32>,
        %get3A_537 = vector.shape_cast %get3A_536 : vector<1x1x16xf32> to vector<16xf32>
        %get3A_538 = arith.constant 1 : i32
        %get3A_539 = arith.constant 5 : i32
        %get3A_540 = arith.index_cast %get3A_538 : i32 to index
        %get3A_541 = arith.index_cast %get3A_539 : i32 to index
        %get3A_542 = arith.index_cast %mul3A_502 : i32 to index
        %get3A_543 = tpu.vector_load %arg4[%get3A_540, %get3A_541, %get3A_542] {strides = array<i32>} : memref<2x9x3072xf32, #tpu.memory_space<vmem>>, vector<1x1x16xf32>,
        %get3A_544 = vector.shape_cast %get3A_543 : vector<1x1x16xf32> to vector<16xf32>
        %get3A_545 = arith.constant 1 : i32
        %get3A_546 = arith.constant 6 : i32
        %get3A_547 = arith.index_cast %get3A_545 : i32 to index
        %get3A_548 = arith.index_cast %get3A_546 : i32 to index
        %get3A_549 = arith.index_cast %mul3A_502 : i32 to index
        %get3A_550 = tpu.vector_load %arg4[%get3A_547, %get3A_548, %get3A_549] {strides = array<i32>} : memref<2x9x3072xf32, #tpu.memory_space<vmem>>, vector<1x1x16xf32>,
        %get3A_551 = vector.shape_cast %get3A_550 : vector<1x1x16xf32> to vector<16xf32>
        %get3A_552 = arith.constant 1 : i32
        %get3A_553 = arith.constant 7 : i32
        %get3A_554 = arith.index_cast %get3A_552 : i32 to index
        %get3A_555 = arith.index_cast %get3A_553 : i32 to index
        %get3A_556 = arith.index_cast %mul3A_502 : i32 to index
        %get3A_557 = tpu.vector_load %arg4[%get3A_554, %get3A_555, %get3A_556] {strides = array<i32>} : memref<2x9x3072xf32, #tpu.memory_space<vmem>>, vector<1x1x16xf32>,
        %get3A_558 = vector.shape_cast %get3A_557 : vector<1x1x16xf32> to vector<16xf32>
        %get3A_559 = arith.constant 1 : i32
        %get3A_560 = arith.constant 8 : i32
        %get3A_561 = arith.index_cast %get3A_559 : i32 to index
        %get3A_562 = arith.index_cast %get3A_560 : i32 to index
        %get3A_563 = arith.index_cast %mul3A_502 : i32 to index
        %get3A_564 = tpu.vector_load %arg4[%get3A_561, %get3A_562, %get3A_563] {strides = array<i32>} : memref<2x9x3072xf32, #tpu.memory_space<vmem>>, vector<1x1x16xf32>,
        %get3A_565 = vector.shape_cast %get3A_564 : vector<1x1x16xf32> to vector<16xf32>
        %add3A_566 = arith.addf %get3A_509, %get3A_516 : vector<16xf32>
        %mul3A_567 = arith.constant 5.000000e-01 : f32
        %mul3A_568 = vector.broadcast %mul3A_567 : f32 to vector<16xf32>
        %mul3A_569 = arith.mulf %add3A_566, %mul3A_568 : vector<16xf32>
        %add3A_570 = arith.addf %get3A_523, %get3A_530 : vector<16xf32>
        %add3A_571 = arith.addf %add3A_570, %get3A_537 : vector<16xf32>
        %add3A_572 = arith.addf %add3A_571, %get3A_544 : vector<16xf32>
        %add3A_573 = arith.addf %add3A_572, %get3A_551 : vector<16xf32>
        %mul3A_574 = arith.constant 2.000000e-01 : f32
        %mul3A_575 = vector.broadcast %mul3A_574 : f32 to vector<16xf32>
        %mul3A_576 = arith.mulf %add3A_573, %mul3A_575 : vector<16xf32>
        %add3A_577 = arith.addf %get3A_558, %get3A_565 : vector<16xf32>
        %mul3A_578 = arith.constant 5.000000e-01 : f32
        %mul3A_579 = vector.broadcast %mul3A_578 : f32 to vector<16xf32>
        %mul3A_580 = arith.mulf %add3A_577, %mul3A_579 : vector<16xf32>
        %swap3A_581 = arith.constant 1 : i32
        %swap3A_582 = arith.index_cast %swap3A_581 : i32 to index
        %swap3A_583 = arith.index_cast %mul3A_502 : i32 to index
        %swap3A_584 = tpu.vector_load %arg5[%swap3A_582, %swap3A_583] {strides = array<i32>} : memref<2x9216xf32, #tpu.memory_space<vmem>>, vector<1x16xf32>,
        %swap3A_585 = vector.shape_cast %swap3A_584 : vector<1x16xf32> to vector<16xf32>
        %swap3A_586 = vector.shape_cast %mul3A_569 : vector<16xf32> to vector<1x16xf32>
        tpu.vector_store %arg5[%swap3A_582, %swap3A_583], %swap3A_586 {strides = array<i32>} : memref<2x9216xf32, #tpu.memory_space<vmem>>, vector<1x16xf32>,
        %add3A_587 = arith.constant 3072 : i32
        %add3A_588 = arith.addi %add3A_587, %mul3A_502 : i32
        %swap3A_589 = arith.constant 1 : i32
        %swap3A_590 = arith.index_cast %swap3A_589 : i32 to index
        %swap3A_591 = arith.index_cast %add3A_588 : i32 to index
        %swap3A_592 = tpu.vector_load %arg5[%swap3A_590, %swap3A_591] {strides = array<i32>} : memref<2x9216xf32, #tpu.memory_space<vmem>>, vector<1x16xf32>,
        %swap3A_593 = vector.shape_cast %swap3A_592 : vector<1x16xf32> to vector<16xf32>
        %swap3A_594 = vector.shape_cast %mul3A_576 : vector<16xf32> to vector<1x16xf32>
        tpu.vector_store %arg5[%swap3A_590, %swap3A_591], %swap3A_594 {strides = array<i32>} : memref<2x9216xf32, #tpu.memory_space<vmem>>, vector<1x16xf32>,
        %add3A_595 = arith.constant 6144 : i32
        %add3A_596 = arith.addi %add3A_595, %mul3A_502 : i32
        %swap3A_597 = arith.constant 1 : i32
        %swap3A_598 = arith.index_cast %swap3A_597 : i32 to index
        %swap3A_599 = arith.index_cast %add3A_596 : i32 to index
        %swap3A_600 = tpu.vector_load %arg5[%swap3A_598, %swap3A_599] {strides = array<i32>} : memref<2x9216xf32, #tpu.memory_space<vmem>>, vector<1x16xf32>,
        %swap3A_601 = vector.shape_cast %swap3A_600 : vector<1x16xf32> to vector<16xf32>
        %swap3A_602 = vector.shape_cast %mul3A_580 : vector<16xf32> to vector<1x16xf32>
        tpu.vector_store %arg5[%swap3A_598, %swap3A_599], %swap3A_602 {strides = array<i32>} : memref<2x9216xf32, #tpu.memory_space<vmem>>, vector<1x16xf32>,
      }
      %scan3A_165 = arith.constant 192 : i32
      %add3A_166 = arith.addi %mul3A_2, %add3A_136 : i32
      %dma_start3A_167 = arith.constant 1 : i32
      %dma_start3A_168 = arith.constant 1 : i32
      %dma_start3A_169 = arith.constant 0 : i32
      %dma_start3A_170 = tpu.memref_slice %arg5[%dma_start3A_167, %dma_start3A_169] : memref<2x9216xf32, #tpu.memory_space<vmem>> -> memref<1x9216xf32, #tpu.memory_space<vmem>>
      %dma_start3A_171 = tpu.memref_squeeze %dma_start3A_170 : memref<1x9216xf32, #tpu.memory_space<vmem>> -> memref<9216xf32, #tpu.memory_space<vmem>>
      %dma_start3A_172 = arith.constant 0 : i32
      %dma_start3A_173 = tpu.memref_slice %arg3[%add3A_166, %dma_start3A_172] : memref<1024x9216xf32, #tpu.memory_space<hbm>> -> memref<1x9216xf32, #tpu.memory_space<hbm>>
      %dma_start3A_174 = tpu.memref_squeeze %dma_start3A_173 : memref<1x9216xf32, #tpu.memory_space<hbm>> -> memref<9216xf32, #tpu.memory_space<hbm>>
      %dma_start3A_175 = tpu.memref_slice %arg7[%dma_start3A_168] : memref<2x!tpu.dma_semaphore, #tpu.memory_space<semaphore_mem>> -> memref<1x!tpu.dma_semaphore, #tpu.memory_space<semaphore_mem>>
      %dma_start3A_176 = tpu.memref_squeeze %dma_start3A_175 : memref<1x!tpu.dma_semaphore, #tpu.memory_space<semaphore_mem>> -> memref<!tpu.dma_semaphore, #tpu.memory_space<semaphore_mem>>
      %dma_start3A_177 = arith.constant 0 : i32
      %dma_start3A_178 = tpu.memref_slice %arg3[%add3A_166, %dma_start3A_177] : memref<1024x9216xf32, #tpu.memory_space<hbm>> -> memref<1x9216xf32, #tpu.memory_space<hbm>>
      %dma_start3A_179 = tpu.memref_squeeze %dma_start3A_178 : memref<1x9216xf32, #tpu.memory_space<hbm>> -> memref<9216xf32, #tpu.memory_space<hbm>>
      %dma_start3A_180 = arith.constant 0 : i32
      %dma_start3A_181 = tpu.memref_slice %arg5[%dma_start3A_167, %dma_start3A_180] : memref<2x9216xf32, #tpu.memory_space<vmem>> -> memref<1x9216xf32, #tpu.memory_space<vmem>>
      %dma_start3A_182 = tpu.memref_squeeze %dma_start3A_181 : memref<1x9216xf32, #tpu.memory_space<vmem>> -> memref<9216xf32, #tpu.memory_space<vmem>>
      tpu.enqueue_dma source(%dma_start3A_182 : memref<9216xf32, #tpu.memory_space<vmem>>) target(%dma_start3A_179 : memref<9216xf32, #tpu.memory_space<hbm>>) target_semaphore(%dma_start3A_176 : memref<!tpu.dma_semaphore, #tpu.memory_space<semaphore_mem>>)
      %add3A_183 = arith.constant 2 : i32
      %add3A_184 = arith.addi %add3A_136, %add3A_183 : i32
      %lt3A_185 = arith.constant 32 : i32
      %lt3A_186 = arith.cmpi slt, %add3A_184, %lt3A_185 : i32
      %convert_element_type3A_187 = arith.extui %lt3A_186 : i1 to i32
      %cond3A_188 = arith.constant 0 : i32
      %cond3A_189 = arith.cmpi ne, %convert_element_type3A_187, %cond3A_188 : i32
      scf.if %cond3A_189 {
        %add3A_190 = arith.constant 2 : i32
        %add3A_191 = arith.addi %add3A_136, %add3A_190 : i32
        %add3A_192 = arith.addi %mul3A_2, %add3A_191 : i32
        %mul3A_193 = arith.constant 9 : i32
        %mul3A_194 = arith.muli %add3A_192, %mul3A_193 : i32
        %dma_start3A_195 = arith.constant 1 : i32
        %dma_start3A_196 = arith.constant 1 : i32
        %dma_start3A_197 = arith.constant 0 : i32
        %dma_start3A_198 = arith.constant 0 : i32
        %dma_start3A_199 = tpu.memref_slice %arg4[%dma_start3A_195, %dma_start3A_197, %dma_start3A_198] : memref<2x9x3072xf32, #tpu.memory_space<vmem>> -> memref<1x9x3072xf32, #tpu.memory_space<vmem>>
        %dma_start3A_200 = tpu.memref_squeeze %dma_start3A_199 : memref<1x9x3072xf32, #tpu.memory_space<vmem>> -> memref<9x3072xf32, #tpu.memory_space<vmem>>
        %dma_start3A_201 = arith.constant 0 : i32
        %dma_start3A_202 = tpu.memref_slice %arg2[%mul3A_194, %dma_start3A_201] : memref<9216x3072xf32, #tpu.memory_space<hbm>> -> memref<9x3072xf32, #tpu.memory_space<hbm>>
        %dma_start3A_203 = tpu.memref_slice %arg6[%dma_start3A_196] : memref<2x!tpu.dma_semaphore, #tpu.memory_space<semaphore_mem>> -> memref<1x!tpu.dma_semaphore, #tpu.memory_space<semaphore_mem>>
        %dma_start3A_204 = tpu.memref_squeeze %dma_start3A_203 : memref<1x!tpu.dma_semaphore, #tpu.memory_space<semaphore_mem>> -> memref<!tpu.dma_semaphore, #tpu.memory_space<semaphore_mem>>
        %dma_start3A_205 = arith.constant 0 : i32
        %dma_start3A_206 = arith.constant 0 : i32
        %dma_start3A_207 = tpu.memref_slice %arg4[%dma_start3A_195, %dma_start3A_205, %dma_start3A_206] : memref<2x9x3072xf32, #tpu.memory_space<vmem>> -> memref<1x9x3072xf32, #tpu.memory_space<vmem>>
        %dma_start3A_208 = tpu.memref_squeeze %dma_start3A_207 : memref<1x9x3072xf32, #tpu.memory_space<vmem>> -> memref<9x3072xf32, #tpu.memory_space<vmem>>
        %dma_start3A_209 = arith.constant 0 : i32
        %dma_start3A_210 = tpu.memref_slice %arg2[%mul3A_194, %dma_start3A_209] : memref<9216x3072xf32, #tpu.memory_space<hbm>> -> memref<9x3072xf32, #tpu.memory_space<hbm>>
        tpu.enqueue_dma source(%dma_start3A_210 : memref<9x3072xf32, #tpu.memory_space<hbm>>) target(%dma_start3A_208 : memref<9x3072xf32, #tpu.memory_space<vmem>>) target_semaphore(%dma_start3A_204 : memref<!tpu.dma_semaphore, #tpu.memory_space<semaphore_mem>>)
      } else {
      }
    }
    %scan3A_45 = arith.constant 16 : i32
    %add3A_46 = arith.constant 30 : i32
    %add3A_47 = arith.addi %mul3A_2, %add3A_46 : i32
    %dma_wait3A = arith.constant 0 : i32
    %dma_wait3A_48 = arith.constant 0 : i32
    %dma_wait3A_49 = arith.constant 0 : i32
    %dma_wait3A_50 = tpu.memref_slice %arg5[%dma_wait3A, %dma_wait3A_49] : memref<2x9216xf32, #tpu.memory_space<vmem>> -> memref<1x9216xf32, #tpu.memory_space<vmem>>
    %dma_wait3A_51 = tpu.memref_squeeze %dma_wait3A_50 : memref<1x9216xf32, #tpu.memory_space<vmem>> -> memref<9216xf32, #tpu.memory_space<vmem>>
    %dma_wait3A_52 = arith.constant 0 : i32
    %dma_wait3A_53 = tpu.memref_slice %arg3[%add3A_47, %dma_wait3A_52] : memref<1024x9216xf32, #tpu.memory_space<hbm>> -> memref<1x9216xf32, #tpu.memory_space<hbm>>
    %dma_wait3A_54 = tpu.memref_squeeze %dma_wait3A_53 : memref<1x9216xf32, #tpu.memory_space<hbm>> -> memref<9216xf32, #tpu.memory_space<hbm>>
    %dma_wait3A_55 = tpu.memref_slice %arg7[%dma_wait3A_48] : memref<2x!tpu.dma_semaphore, #tpu.memory_space<semaphore_mem>> -> memref<1x!tpu.dma_semaphore, #tpu.memory_space<semaphore_mem>>
    %dma_wait3A_56 = tpu.memref_squeeze %dma_wait3A_55 : memref<1x!tpu.dma_semaphore, #tpu.memory_space<semaphore_mem>> -> memref<!tpu.dma_semaphore, #tpu.memory_space<semaphore_mem>>
    %dma_wait3A_57 = arith.constant 0 : i32
    %dma_wait3A_58 = tpu.memref_slice %arg3[%add3A_47, %dma_wait3A_57] : memref<1024x9216xf32, #tpu.memory_space<hbm>> -> memref<1x9216xf32, #tpu.memory_space<hbm>>
    %dma_wait3A_59 = tpu.memref_squeeze %dma_wait3A_58 : memref<1x9216xf32, #tpu.memory_space<hbm>> -> memref<9216xf32, #tpu.memory_space<hbm>>
    %dma_wait3A_60 = arith.constant 0 : i32
    %dma_wait3A_61 = tpu.memref_slice %arg5[%dma_wait3A, %dma_wait3A_60] : memref<2x9216xf32, #tpu.memory_space<vmem>> -> memref<1x9216xf32, #tpu.memory_space<vmem>>
    %dma_wait3A_62 = tpu.memref_squeeze %dma_wait3A_61 : memref<1x9216xf32, #tpu.memory_space<vmem>> -> memref<9216xf32, #tpu.memory_space<vmem>>
    tpu.wait_dma2 semaphore(%dma_wait3A_56 : memref<!tpu.dma_semaphore, #tpu.memory_space<semaphore_mem>>) src(%dma_wait3A_62 : memref<9216xf32, #tpu.memory_space<vmem>>) dst(%dma_wait3A_59 : memref<9216xf32, #tpu.memory_space<hbm>>)
    %add3A_63 = arith.constant 31 : i32
    %add3A_64 = arith.addi %mul3A_2, %add3A_63 : i32
    %dma_wait3A_65 = arith.constant 1 : i32
    %dma_wait3A_66 = arith.constant 1 : i32
    %dma_wait3A_67 = arith.constant 0 : i32
    %dma_wait3A_68 = tpu.memref_slice %arg5[%dma_wait3A_65, %dma_wait3A_67] : memref<2x9216xf32, #tpu.memory_space<vmem>> -> memref<1x9216xf32, #tpu.memory_space<vmem>>
    %dma_wait3A_69 = tpu.memref_squeeze %dma_wait3A_68 : memref<1x9216xf32, #tpu.memory_space<vmem>> -> memref<9216xf32, #tpu.memory_space<vmem>>
    %dma_wait3A_70 = arith.constant 0 : i32
    %dma_wait3A_71 = tpu.memref_slice %arg3[%add3A_64, %dma_wait3A_70] : memref<1024x9216xf32, #tpu.memory_space<hbm>> -> memref<1x9216xf32, #tpu.memory_space<hbm>>
    %dma_wait3A_72 = tpu.memref_squeeze %dma_wait3A_71 : memref<1x9216xf32, #tpu.memory_space<hbm>> -> memref<9216xf32, #tpu.memory_space<hbm>>
    %dma_wait3A_73 = tpu.memref_slice %arg7[%dma_wait3A_66] : memref<2x!tpu.dma_semaphore, #tpu.memory_space<semaphore_mem>> -> memref<1x!tpu.dma_semaphore, #tpu.memory_space<semaphore_mem>>
    %dma_wait3A_74 = tpu.memref_squeeze %dma_wait3A_73 : memref<1x!tpu.dma_semaphore, #tpu.memory_space<semaphore_mem>> -> memref<!tpu.dma_semaphore, #tpu.memory_space<semaphore_mem>>
    %dma_wait3A_75 = arith.constant 0 : i32
    %dma_wait3A_76 = tpu.memref_slice %arg3[%add3A_64, %dma_wait3A_75] : memref<1024x9216xf32, #tpu.memory_space<hbm>> -> memref<1x9216xf32, #tpu.memory_space<hbm>>
    %dma_wait3A_77 = tpu.memref_squeeze %dma_wait3A_76 : memref<1x9216xf32, #tpu.memory_space<hbm>> -> memref<9216xf32, #tpu.memory_space<hbm>>
    %dma_wait3A_78 = arith.constant 0 : i32
    %dma_wait3A_79 = tpu.memref_slice %arg5[%dma_wait3A_65, %dma_wait3A_78] : memref<2x9216xf32, #tpu.memory_space<vmem>> -> memref<1x9216xf32, #tpu.memory_space<vmem>>
    %dma_wait3A_80 = tpu.memref_squeeze %dma_wait3A_79 : memref<1x9216xf32, #tpu.memory_space<vmem>> -> memref<9216xf32, #tpu.memory_space<vmem>>
    tpu.wait_dma2 semaphore(%dma_wait3A_74 : memref<!tpu.dma_semaphore, #tpu.memory_space<semaphore_mem>>) src(%dma_wait3A_80 : memref<9216xf32, #tpu.memory_space<vmem>>) dst(%dma_wait3A_77 : memref<9216xf32, #tpu.memory_space<hbm>>)
    return
  }
}

</mosaic_0001>

<sc_bundles>
// kernel: _sc_pool.3.cloned.1.call-start
scs
__scs_entry_jumppad:
0x0: {  	(pc) =	sbr.rel $0x88, $3  }
0x1: {  	(tag) =	ssettag $0x0;
	lr =	simm.s32 $0x1  }
0x2: {  	[smem:$0x3FA0] =	sst lr;
	_ =	strace $0xD0000000  }
0x3: {  	_ = 	snop  }
0x4: {  	_ = 	snop  }
0x5: {  	_ = 	snop  }
0x6: {  	_ = 	snop  }
0x7: {  	_ = 	snop  }
__scs_overlays_trampoline_lowered:
0x8: {  	[smem:$0x3FAF] =	sst s0  }
0x9: {  	[smem:$0x3FB0] =	sst s1  }
0xa: {  	[smem:$0x3FB1] =	sst s2  }
0xb: {  	[smem:$0x3FB2] =	sst s3  }
0xc: {  	[smem:$0x3FB3] =	sst s4  }
0xd: {  	[smem:$0x3FB4] =	sst s5  }
0xe: {  	[smem:$0x3FB5] =	sst s6  }
0xf: {  	[smem:$0x3FB6] =	sst s7  }
0x10: {  	[smem:$0x3FB7] =	sst s8  }
0x11: {  	[smem:$0x3FB8] =	sst s9;
	s0 =	simm.s32 @!p0 $0x0  }
0x12: {  	s1 =	sld [smem:$0x3F9E];
	s0 =	simm.s32 @p0 $0x1  }
0x13: {  	[smem:$0x3FB9] =	sst s0;
	s0 =	simm.s32 @!p1 $0x0  }
0x14: {  	s2 =	sld [smem:$0x3F9D];
	s0 =	simm.s32 @p1 $0x1  }
0x15: {  	[smem:$0x3FBA] =	sst s0;
	s0 =	simm.s32 @!p2 $0x0  }
0x16: {  	s3 =	sld [smem:$0x3FDB];
	s0 =	simm.s32 @p2 $0x1  }
0x17: {  	s4 =	simm.s32 $0x1BF5;
	[smem:$0x3FBC] =	sst s0  }
0x18: {  	s0 =	sld [smem:$0x3F9F];
	_ =	swait.ge [sflag:s4], $0x0  }
0x19: {  	s7 =	sld [smem:$0x3FA0]  }
0x1a: {  	s8 =	sadd.s32 $0xFFFFE003, lr  }
0x1b: {  	s9 =	sadd.s32 $0xFFFFFEF7, lr;
	s5 =	simm.s32 $0xFFFFFFFF;
	p2 =	slt.u32 s8, $0xFFFFF086  }
0x1c: {  	p1 =	slt.u32 s9, $0xF7A;
	s5 =	simm.s32 @!p2 $0x0  }
0x1d: {  	s5 =	simm.s32 @p1 $0x1;
	p0 =	seq.s32 s7, s2  }
0x1e: {  	s7 =	smul.u32 @!p0 $0xF7A, s2;
	p2 =	seq.s32 @!p0 s5, $0x0  }
0x1f: {  	s9 =	smul.u32 $0xF7A, s1;
	s8 =	simm.s32 @!p0 $0x1BF5;
	p2 =	por !p2, p0  }
0x20: {  	[sflag:s8] =	ssyncset.s32 @!p0 $0xFFFFF086;
	s6 =	sadd.s32 @!p0 s3, s7;
	s7 =	simm.s32 @!p0 $0x108  }
0x21: {  	s3 =	sadd.s32 s3, s9;
	s6 =	sadd.s32 @!p0 $0x88, s6;
	s7 =	simm.s32 @p2 $0x1082  }
0x22: {  	[simem:s7], [sflag:s8] =	dma.local @!p0 [hbm:s6], $0xF7A  }
0x23: {  	s9 =	sor.u32 $0xD0000000, s2;
	s6 =	simm.s32 $0x108;
	_ =	swait.ge @!p0 [sflag:s8], $0x0  }
0x24: {  	s3 =	sadd.s32 $0x88, s3;
	s6 =	simm.s32 @!p1 $0x1082;
	[sflag:s4] =	ssyncset.s32 $0xFFFFF086  }
0x25: {  	[simem:s6], [sflag:s4] =	dma.local [hbm:s3], $0xF7A  }
0x26: {  	[smem:$0x3FA0] =	sst s1;
	(tag) =	ssettag s2;
	_ =	strace s9  }
0x27: {  	s1 =	sld [smem:$0x3FB0]  }
0x28: {  	s2 =	sld [smem:$0x3FB1]  }
0x29: {  	s4 =	sld [smem:$0x3FB3]  }
0x2a: {  	p0 =	seq.s32 s5, $0x0;
	s5 =	sld [smem:$0x3FB4]  }
0x2b: {  	s6 =	sld [smem:$0x3FB5]  }
0x2c: {  	s7 =	sld [smem:$0x3FB6]  }
0x2d: {  	s3 =	simm.s32 $0x108;
	s8 =	sld [smem:$0x3FB7]  }
0x2e: {  	s3 =	simm.s32 @!p0 $0x1082;
	s9 =	sld [smem:$0x3FB8]  }
0x2f: {  	lr =	sadd.s32 s0, s3;
	s0 =	sld [smem:$0x3FAF]  }
0x30: {  	s3 =	sld [smem:$0x3FB2]  }
0x31: {  	[smem:$0x3FBB] =	sst s10  }
0x32: {  	s10 =	sld [smem:$0x3FB9];
	_ =	sdelay $0x3  }
0x33: {  	p0 =	seq.s32 s10, $0x1;
	s10 =	sld [smem:$0x3FBB];
	_ =	sdelay $0x3  }
0x34: {  	[smem:$0x3FBB] =	sst s10  }
0x35: {  	s10 =	sld [smem:$0x3FBA];
	_ =	sdelay $0x3  }
0x36: {  	p1 =	seq.s32 s10, $0x1;
	s10 =	sld [smem:$0x3FBB];
	_ =	sdelay $0x3  }
0x37: {  	[smem:$0x3FBB] =	sst s10  }
0x38: {  	s10 =	sld [smem:$0x3FBC]  }
0x39: {  	_ = 	snop;
	(pc) =	sbr.ind lr, $3  }
0x3a: {  	_ = 	snop  }
0x3b: {  	_ = 	snop  }
0x3c: {  	p2 =	seq.s32 s10, $0x1;
	s10 =	sld [smem:$0x3FBB]  }
0x3d: {  	_ =	shalt  }
0x3e: {  	_ =	shalt  }
0x3f: {  	_ =	shalt  }
0x40: {  	_ =	shalt  }
0x41: {  	_ =	shalt  }
0x42: {  	_ =	shalt  }
0x43: {  	_ =	shalt  }
0x44: {  	_ =	shalt  }
0x45: {  	_ =	shalt  }
0x46: {  	_ =	shalt  }
0x47: {  	_ =	shalt  }
0x48: {  	_ =	shalt  }
0x49: {  	_ =	shalt  }
0x4a: {  	_ =	shalt  }
0x4b: {  	_ =	shalt  }
0x4c: {  	_ =	shalt  }
0x4d: {  	_ =	shalt  }
0x4e: {  	_ =	shalt  }
0x4f: {  	_ =	shalt  }
0x50: {  	_ =	shalt  }
0x51: {  	_ =	shalt  }
0x52: {  	_ =	shalt  }
0x53: {  	_ =	shalt  }
0x54: {  	_ =	shalt  }
0x55: {  	_ =	shalt  }
0x56: {  	_ =	shalt  }
0x57: {  	_ =	shalt  }
0x58: {  	_ =	shalt  }
0x59: {  	_ =	shalt  }
0x5a: {  	_ =	shalt  }
0x5b: {  	_ =	shalt  }
0x5c: {  	_ =	shalt  }
0x5d: {  	_ =	shalt  }
0x5e: {  	_ =	shalt  }
0x5f: {  	_ =	shalt  }
0x60: {  	_ =	shalt  }
0x61: {  	_ =	shalt  }
0x62: {  	_ =	shalt  }
0x63: {  	_ =	shalt  }
0x64: {  	_ =	shalt  }
0x65: {  	_ =	shalt  }
0x66: {  	_ =	shalt  }
0x67: {  	_ =	shalt  }
0x68: {  	_ =	shalt  }
0x69: {  	_ =	shalt  }
0x6a: {  	_ =	shalt  }
0x6b: {  	_ =	shalt  }
0x6c: {  	_ =	shalt  }
0x6d: {  	_ =	shalt  }
0x6e: {  	_ =	shalt  }
0x6f: {  	_ =	shalt  }
0x70: {  	_ =	shalt  }
0x71: {  	_ =	shalt  }
0x72: {  	_ =	shalt  }
0x73: {  	_ =	shalt  }
0x74: {  	_ =	shalt  }
0x75: {  	_ =	shalt  }
0x76: {  	_ =	shalt  }
0x77: {  	_ =	shalt  }
0x78: {  	_ =	shalt  }
0x79: {  	_ =	shalt  }
0x7a: {  	_ =	shalt  }
0x7b: {  	_ =	shalt  }
0x7c: {  	_ =	shalt  }
0x7d: {  	_ =	shalt  }
0x7e: {  	_ =	shalt  }
0x7f: {  	_ =	shalt  }
0x80: {  	_ =	shalt  }
0x81: {  	_ =	shalt  }
0x82: {  	_ =	shalt  }
0x83: {  	_ =	shalt  }
0x84: {  	_ =	shalt  }
0x85: {  	_ =	shalt  }
0x86: {  	_ =	shalt  }
0x87: {  	_ =	shalt  }
.Lfunc_end0:
.L_simem_size_0:
called_computation.1_lowered:
.L_overlay_start_0:
0x88: {  	s2 =	sld [smem:$0x3FD9]  }
0x89: {  	s3 =	sld [smem:$0x3FFE];
	_ =	sdelay $0x1  }
0x8a: {  	s1 =	srdreg.scid  }
0x8b: {  	s0 =	sand.u32 $0x1, s1  }
0x8c: {  	s16 =	sshll.u32 s0, $0xA;
	s2 =	sadd.s32 s3, s2  }
0x8d: {  	s2 =	sadd.s32 s2, s16  }
0x8e: {  	[smem:$0x3FC7] =	sst s2  }
0x8f: {  	_ = 	snop  }
0x90: {  	(tm) =	ssettm $0x1  }
0x91: {  	s17 =	sld [smem:$0x3FFB];
	_ =	sdelay $0x3  }
0x92: {  	_ =	strace s17  }
0x93: {  	s2 =	sld [smem:$0x3FFC];
	_ =	sdelay $0x3  }
0x94: {  	_ =	strace s2  }
0x95: {  	s2 =	sld [smem:$0x3FFD];
	_ =	sdelay $0x3  }
0x96: {  	_ =	strace s2  }
0x97: {  	_ =	strace $0x8FFFFFFF  }
0x98: {  	s18 =	sld [smem:$0x3FDB];
	_ =	sdelay $0x1  }
0x99: {  	s19 =	simm.s32 $_scs_section_size  }
0x9a: {  	s4 =	simm.s32 $_size__tile_overlayer_lowered;
	s5 =	simm.s32 $_tile_overlayer_lowered  }
0x9b: {  	s22 =	simm.s32 $0x1BFF;
	s21 =	sshll.u32 s5, $0x1;
	s2 =	sadd.s32 s19, s18  }
0x9c: {  	s6 =	simm.s32 $0x0;
	s20 =	sshll.u32 s4, $0x1;
	s4 =	sadd.s32 s21, s2  }
0x9d: {  	[timem:s6], [sflag:s22] =	dma.local [hbm:s4], s20  }
0x9e: {  	_ =	swait.ge [sflag:s22], s20  }
0x9f: {  	s3 =	ssub.s32 $0x0, s20;
	[sflag:s22] =	ssyncset.done $0x0  }
0xa0: {  	[sflag:s22] =	ssyncadd.s32 s3;
	_ =	sdelay $0x1  }
0xa1: {  	s23 =	simm.s32 $0x1B8B  }
0xa2: {  	_ =	swait.ge [sflag:s23], $0x1  }
0xa3: {  	[sflag:s23] =	ssyncset.done $0x0  }
0xa4: {  	s25 =	simm.s32 $0x1B8E;
	s24 =	sld [smem:$0x3FFE];
	[sflag:s23] =	ssyncadd.s32 $0xFFFFFFFF  }
0xa5: {  	s26 =	simm.s32 $execute0_lowered;
	[smem:$0x3FD2] =	sst s25  }
0xa6: {  	s4 =	sshll.u32 s26, $0x1;
	_ =	strace $0x80000049;
	[dreg:$0x1] =	wrdreg $0xFFFFFFFF  }
0xa7: {  	s28 =	simm.s32 $_size_execute0_lowered;
	s2 =	sadd.s32 s2, s4;
	[dreg:$0x0] =	wrdreg $0x0  }
0xa8: {  	s4 =	sshll.u32 s28, $0x1;
	[dreg:$0x2] =	wrdreg s2  }
0xa9: {  	[dreg:$0x3] =	wrdreg s4  }
0xaa: {  	[dreg:$0x4] =	wrdreg $0xC0  }
0xab: {  	_ =	task [dreg:s6], $0x5FFFF  }
0xac: {  	[dreg:$0x1] =	wrdreg $0xFFFFFFFF  }
0xad: {  	[dreg:$0x0] =	wrdreg $0x60  }
0xae: {  	[dreg:$0x2] =	wrdreg s24  }
0xaf: {  	[dreg:$0x3] =	wrdreg $0x9  }
0xb0: {  	_ =	task.clear_ibuf [dreg:s6], $0x4FFFF;
	_ =	strace $0x90000049  }
0xb1: {  	s29 =	simm.s32 $0x9;
	_ =	strace $0x8000004B  }
0xb2: {  	_ =	swait.ge [sflag:s29], $0x1  }
0xb3: {  	[sflag:s29] =	ssyncadd.s32 $0xFFFFFFFF  }
0xb4: {  	_ =	strace $0x9000004B  }
0xb5: {  	_ =	sfence  }
0xb6: {  	s30 =	sld [smem:$0x0];
	_ =	sdelay $0x2  }
0xb7: {  	s31 =	sshll.u32 s1, $0xD;
	s1 =	sshrl.u32 s1, $0x2  }
0xb8: {  	s3 =	sand.u32 $0x4000, s31;
	s1 =	sadd.s32 s1, s30  }
0xb9: {  	s0 =	sor.u32 s3, s0;
	s1 =	sshll.u32 s1, $0x11  }
0xba: {  	s0 =	sor.u32 s1, s0  }
0xbb: {  	s0 =	sadd.s32 $0x8F2B, s0  }
0xbc: {  	[sflag:s0] =	ssyncadd.remote.s32 $0x1  }
0xbd: {  	_ =	sfence.sel $0xFFFF  }
0xbe: {  	[dreg:$0x0] =	wrdreg $0xFFFFFFFF;
	(pc) =	sbr.abs _section_cstart, $3  }
0xbf: {  	[dreg:$0x1] =	wrdreg $0xFFFFFFFF  }
0xc0: {  	_ =	task.clear_ibuf [dreg:s6], $0x2FFFF;
	_ =	strace $0x9FFFFFFF  }
0xc1: {  	(tm) =	ssettm $0x7FFFFFFF  }
tec
execute0_lowered:
.L_overlay_start_1:
0x0: {  	(tag) =	ssettag $0x1  }
0x1: {  	s4 =	rddreg [dreg:$0x0]  }
0x2: {  	s0 =	rddreg [dreg:$0x1]  }
0x3: {  	s3 =	srdreg.scid;
	s1 =	stileid.u32  }
0x4: {  	s2 =	simm.s32 $0x0;
	s11 =	simm.s32 $0x6C00;
	s12 =	simm.s32 $0x1  }
0x5: {  	s13 =	simm.s32 $0xD800;
	s14 =	simm.s32 $0x2;
	s15 =	simm.s32 $0xFC00  }
0x6: {  	s16 =	simm.s32 $0x3;
	s17 =	simm.s32 $0x4;
	s18 =	simm.s32 $0x0  }
0x7: {  	s3 =	sand.u32 $0x1, s3;
	s5 =	sshll.u32 s1, $0x1;
	[smem:$0x7FF] =	sst s2  }
.Ltmp0:
0x8: {  	s5 =	sor.u32 s3, s5;
	_ =	strace $0x8000004A;
	(pc) =	sbr.rel .LBB2_1-.Ltmp0, $4  }
0x9: {  	s6 =	ssub.s32 $0x2, s3;
	s3 =	sadd.s32 $0x800, s4;
	s7 =	smul.u32 $0x1B000, s5  }
0xa: {  	s4 =	sadd.s32 $0x360800, s4;
	s8 =	sshrl.u32 s6, $0x1;
	s5 =	sshll.u32 s5, $0x5  }
0xb: {  	s10 =	ssub.s32 s6, s8;
	s8 =	sor.u32 $0x2, s5;
	s6 =	sadd.s32 s3, s7  }
0xc: {  	s9 =	sor.u32 $0x3, s5;
	s10 =	smax.u32 s10, $0x1;
	s7 =	sadd.s32 $0xD80, s6  }
.LBB2_8:
0xd: {  	s18 =	sadd.s32 $0x1, s18  }
0xe: {  	_ =	swait.ge [sflag:s16], $0x2400;
	p0 =	sne.s32 s18, s10  }
.Ltmp1:
0xf: {  	[sflag:s16] =	ssyncset.done $0x0;
	(pc) =	sbr.rel @!p0 .LBB2_9-.Ltmp1, $4  }
0x10: {  	[sflag:s16] =	ssyncadd.s32 $0xFFFFDC00  }
0x11: {  	_ =	swait.ge [sflag:s17], $0x2400  }
0x12: {  	[sflag:s17] =	ssyncset.done $0x0  }
0x13: {  	[sflag:s17] =	ssyncadd.s32 $0xFFFFDC00  }
.LBB2_1:
0x14: {  	[tilespmem:s2], [sflag:$0x1] =	stream.linear.gather [hbm4b:s6+s2], $0x6C00, $0x38;
	[tilespmem:$0x12000] =	vst v63  }
0x15: {  	s19 =	simm.s32 $0x0  }
0x16: {  	[tilespmem:s11], [sflag:$0x2] =	stream.linear.gather [hbm4b:s7+s2], $0x6C00, $0x38;
	[tilespmem:$0x12000] =	vst v63  }
.LBB2_2:
0x17: {  	_ =	swait.ge [sflag:s12], $0x6C00  }
0x18: {  	p0 =	seq.s32 s19, $0x0;
	[sflag:s12] =	ssyncset.done $0x0  }
0x19: {  	s20 =	simm.s32 @!p0 $0x3;
	[sflag:s12] =	ssyncadd.s32 $0xFFFF9400  }
0x1a: {  	_ =	swait.ge @!p0 [sflag:s20], $0x2400  }
0x1b: {  	[sflag:s20] =	ssyncset.done @!p0 $0x0  }
0x1c: {  	s21 =	simm.s32 $0x0;
	[sflag:s20] =	ssyncadd.s32 @!p0 $0xFFFFDC00  }
0x1d: {  	v0 =	vld [tilespmem:s21+$0x1830]  }
0x1e: {  	v1 =	vld [tilespmem:s21+$0x2430]  }
0x1f: {  	v2 =	vld [tilespmem:s21+$0x1800]  }
0x20: {  	v3 =	vld [tilespmem:s21+$0x3030]  }
0x21: {  	v4 =	vld [tilespmem:s21+$0x2400]  }
0x22: {  	v5 =	vld [tilespmem:s21+$0x3C30]  }
0x23: {  	v6 =	vld [tilespmem:s21+$0x1810];
	v0 =	vadd.f32 v1, v0  }
0x24: {  	v1 =	vld [tilespmem:s21+$0x4830]  }
0x25: {  	v7 =	vld [tilespmem:s21+$0x2410];
	v0 =	vadd.f32 v3, v0  }
0x26: {  	v8 =	vld [tilespmem:s21+$0x2420]  }
0x27: {  	v9 =	vld [tilespmem:s21+$0x3010];
	v0 =	vadd.f32 v5, v0  }
0x28: {  	v10 =	vld [tilespmem:s21+$0x3C00]  }
0x29: {  	v11 =	vld [tilespmem:s21+$0x3C10];
	v0 =	vadd.f32 v1, v0  }
0x2a: {  	v12 =	vld [tilespmem:s21+$0x3C20]  }
0x2b: {  	v5 =	vld [tilespmem:s21+$0x3000];
	v0 =	vmul.f32 $2.000000030e-01, v0  }
0x2c: {  	v13 =	vld [tilespmem:s21+$0xC00]  }
0x2d: {  	[tilespmem:s21+$0xE430] =	vst v0;
	v0 =	vld [tilespmem:s21+$0x0]  }
0x2e: {  	v14 =	vld [tilespmem:s21+$0x5400];
	v2 =	vadd.f32 v4, v2  }
0x2f: {  	v4 =	vld [tilespmem:s21+$0x4800]  }
0x30: {  	v15 =	vld [tilespmem:s21+$0x10];
	v2 =	vadd.f32 v5, v2  }
0x31: {  	v5 =	vld [tilespmem:s21+$0x6000]  }
0x32: {  	v61 =	vld [tilespmem:s21+$0xC10];
	v2 =	vadd.f32 v10, v2;
	v0 =	vadd.f32 v13, v0  }
0x33: {  	v62 =	vld [tilespmem:s21+$0x4810]  }
0x34: {  	v6 =	vadd.f32 v7, v6;
	v3 =	vld [tilespmem:s21+$0x1820];
	v2 =	vadd.f32 v4, v2;
	v0 =	vmul.f32 $5.000000000e-01, v0  }
0x35: {  	v16 =	vld [tilespmem:s21+$0x6010]  }
0x36: {  	v6 =	vadd.f32 v9, v6;
	v1 =	vld [tilespmem:s21+$0x3020];
	[tilespmem:s21+$0xD800] =	vst v0;
	v0 =	vmul.f32 $2.000000030e-01, v2;
	v2 =	vadd.f32 v5, v14  }
0x37: {  	v4 =	vld [tilespmem:s21+$0x5410]  }
0x38: {  	v7 =	vld [tilespmem:s21+$0xC20];
	[tilespmem:s21+$0xE400] =	vst v0;
	v0 =	vmul.f32 $5.000000000e-01, v2;
	v2 =	vadd.f32 v11, v6;
	v6 =	vadd.f32 v61, v15  }
0x39: {  	v3 =	vadd.f32 v8, v3;
	v5 =	vld [tilespmem:s21+$0x20]  }
0x3a: {  	v63 =	vld [tilespmem:s21+$0x4820];
	v6 =	vmul.f32 $5.000000000e-01, v6  }
0x3b: {  	v3 =	vadd.f32 v1, v3;
	[tilespmem:s21+$0xF000] =	vst v0;
	v8 =	vadd.f32 v62, v2;
	v0 =	vld [tilespmem:s21+$0x5420]  }
0x3c: {  	v2 =	vld [tilespmem:s21+$0x6020];
	[tilespmem:s21+$0xD810] =	vst v6;
	v6 =	vadd.f32 v16, v4  }
0x3d: {  	v1 =	vld [tilespmem:s21+$0x30];
	v3 =	vadd.f32 v12, v3;
	v8 =	vmul.f32 $2.000000030e-01, v8  }
0x3e: {  	s20 =	sshll.u32 s19, $0x1;
	v7 =	vadd.f32 v7, v5;
	v4 =	vld [tilespmem:s21+$0xC30];
	v6 =	vmul.f32 $5.000000000e-01, v6  }
0x3f: {  	s23 =	simm.s32 $0x0;
	s24 =	simm.s32 $0x100;
	s22 =	sadd.s32 s5, s20;
	v5 =	vadd.f32 v63, v3;
	v3 =	vld [tilespmem:s21+$0x5430];
	[tilespmem:s21+$0xE410] =	vst v8  }
.LBB2_3:
0x40: {  	s25 =	sshra.s32 s24, $0x2;
	[tilespmem:s21+$0xF010] =	vst v6;
	v6 =	vmul.f32 $5.000000000e-01, v7;
	v7 =	vld [tilespmem:s21+$0x6030]  }
0x41: {  	s23 =	sadd.s32 $0x4, s23;
	v8 =	vld [tilespmem:s25+$0x1830];
	v5 =	vmul.f32 $2.000000030e-01, v5;
	v0 =	vadd.f32 v2, v0  }
0x42: {  	p1 =	slt.u32 s23, $0xBC;
	v2 =	vld [tilespmem:s25+$0x2430];
	[tilespmem:s21+$0xD820] =	vst v6  }
0x43: {  	v6 =	vld [tilespmem:s25+$0x1800];
	v0 =	vmul.f32 $5.000000000e-01, v0;
	[tilespmem:s21+$0xE420] =	vst v5;
	v1 =	vadd.f32 v4, v1  }
0x44: {  	v4 =	vld [tilespmem:s25+$0x3030]  }
0x45: {  	v5 =	vld [tilespmem:s25+$0x2400];
	[tilespmem:s21+$0xF020] =	vst v0;
	v0 =	vmul.f32 $5.000000000e-01, v1;
	v1 =	vadd.f32 v7, v3  }
0x46: {  	v3 =	vld [tilespmem:s25+$0x3C30]  }
0x47: {  	v7 =	vld [tilespmem:s25+$0x1810];
	v2 =	vadd.f32 v2, v8;
	v1 =	vmul.f32 $5.000000000e-01, v1;
	[tilespmem:s21+$0xD830] =	vst v0  }
0x48: {  	v0 =	vld [tilespmem:s25+$0x4830]  }
0x49: {  	v8 =	vld [tilespmem:s25+$0x2410];
	v2 =	vadd.f32 v4, v2;
	[tilespmem:s21+$0xF030] =	vst v1;
	s21 =	smov.u32 s25  }
0x4a: {  	v1 =	vadd.f32 v5, v6;
	v4 =	vld [tilespmem:s21+$0x1820]  }
0x4b: {  	v5 =	vld [tilespmem:s21+$0x2420];
	v2 =	vadd.f32 v3, v2  }
0x4c: {  	v3 =	vld [tilespmem:s21+$0x3000]  }
0x4d: {  	v6 =	vld [tilespmem:s21+$0x3010];
	v0 =	vadd.f32 v0, v2  }
0x4e: {  	v2 =	vadd.f32 v8, v7;
	v7 =	vld [tilespmem:s21+$0x3020]  }
0x4f: {  	v8 =	vld [tilespmem:s21+$0x3C00];
	v0 =	vmul.f32 $2.000000030e-01, v0  }
0x50: {  	v9 =	vld [tilespmem:s21+$0x3C10];
	v4 =	vadd.f32 v5, v4  }
0x51: {  	v1 =	vadd.f32 v3, v1;
	v3 =	vld [tilespmem:s21+$0x3C20];
	[tilespmem:s21+$0xE430] =	vst v0  }
0x52: {  	v0 =	vld [tilespmem:s21+$0x0];
	v2 =	vadd.f32 v6, v2  }
0x53: {  	v5 =	vld [tilespmem:s21+$0xC00];
	v4 =	vadd.f32 v7, v4  }
0x54: {  	v6 =	vld [tilespmem:s21+$0x4800];
	v1 =	vadd.f32 v8, v1  }
0x55: {  	v7 =	vld [tilespmem:s21+$0x5400];
	v2 =	vadd.f32 v9, v2  }
0x56: {  	v8 =	vld [tilespmem:s21+$0x6000];
	v3 =	vadd.f32 v3, v4  }
0x57: {  	v4 =	vld [tilespmem:s21+$0x10]  }
0x58: {  	v0 =	vadd.f32 v5, v0;
	v5 =	vld [tilespmem:s21+$0xC10]  }
0x59: {  	v1 =	vadd.f32 v6, v1;
	v6 =	vld [tilespmem:s21+$0x4810]  }
0x5a: {  	v0 =	vmul.f32 $5.000000000e-01, v0;
	v9 =	vld [tilespmem:s21+$0x5410]  }
0x5b: {  	v1 =	vmul.f32 $2.000000030e-01, v1;
	v7 =	vadd.f32 v8, v7;
	v8 =	vld [tilespmem:s21+$0x6010]  }
0x5c: {  	[tilespmem:s21+$0xD800] =	vst v0;
	v10 =	vld [tilespmem:s21+$0x20]  }
0x5d: {  	v0 =	vmul.f32 $5.000000000e-01, v7;
	[tilespmem:s21+$0xE400] =	vst v1;
	v1 =	vadd.f32 v5, v4;
	v4 =	vld [tilespmem:s21+$0xC20]  }
0x5e: {  	v2 =	vadd.f32 v6, v2;
	v5 =	vld [tilespmem:s21+$0x4820]  }
.Ltmp2:
0x5f: {  	[tilespmem:s21+$0xF000] =	vst v0;
	v1 =	vmul.f32 $5.000000000e-01, v1;
	v0 =	vld [tilespmem:s21+$0x5420];
	(pc) =	sbr.rel @p1 .LBB2_3-.Ltmp2, $4  }
0x60: {  	v7 =	vmul.f32 $2.000000030e-01, v2;
	v6 =	vadd.f32 v8, v9;
	v2 =	vld [tilespmem:s21+$0x6020]  }
0x61: {  	[tilespmem:s21+$0xD810] =	vst v1;
	v1 =	vld [tilespmem:s21+$0x30]  }
0x62: {  	v6 =	vmul.f32 $5.000000000e-01, v6;
	[tilespmem:s21+$0xE410] =	vst v7;
	v7 =	vadd.f32 v4, v10;
	v4 =	vld [tilespmem:s21+$0xC30]  }
0x63: {  	s24 =	sadd.s32 $0x100, s24;
	v5 =	vadd.f32 v5, v3;
	v3 =	vld [tilespmem:s21+$0x5430]  }
0x64: {  	[tilespmem:s21+$0xF010] =	vst v6;
	v6 =	vld [tilespmem:s21+$0x6030];
	_ =	sdelay $0x2  }
0x65: {  	v7 =	vmul.f32 $5.000000000e-01, v7;
	v0 =	vadd.f32 v2, v0  }
0x66: {  	v2 =	vmul.f32 $2.000000030e-01, v5;
	v1 =	vadd.f32 v4, v1  }
0x67: {  	[tilespmem:s21+$0xD820] =	vst v7;
	v0 =	vmul.f32 $5.000000000e-01, v0;
	v3 =	vadd.f32 v6, v3  }
0x68: {  	[tilespmem:s21+$0xE420] =	vst v2;
	v1 =	vmul.f32 $5.000000000e-01, v1  }
0x69: {  	s22 =	smul.u32 $0x480, s22;
	p1 =	seq.s32 s19, $0xF;
	[tilespmem:s21+$0xF020] =	vst v0;
	v0 =	vmul.f32 $5.000000000e-01, v3  }
0x6a: {  	s23 =	sadd.s32 @!p1 s20, s8;
	[tilespmem:s21+$0xD830] =	vst v1  }
0x6b: {  	s30 =	sadd.s32 s4, s22;
	s22 =	smul.u32 @!p1 $0xD80, s23;
	[tilespmem:s21+$0xF030] =	vst v0  }
0x6c: {  	[hbm4b:s30+s2] =	stream.linear.scatter [tilespmem:s13], [sflag:$0x3], $0x2400, $0x38;
	[tilespmem:$0x12000] =	vst v63  }
0x6d: {  	s21 =	sadd.s32 @!p1 s3, s22;
	s22 =	simm.s32 @!p1 $0x0  }
0x6e: {  	[tilespmem:s22], [sflag:$0x1] =	stream.linear.gather @!p1 [hbm4b:s21+s22], $0x6C00, $0x38;
	[tilespmem:$0x12000] =	vst v63  }
0x6f: {  	_ =	swait.ge [sflag:s14], $0x6C00  }
0x70: {  	[sflag:s14] =	ssyncset.done $0x0  }
0x71: {  	s21 =	simm.s32 @!p0 $0x4;
	[sflag:s14] =	ssyncadd.s32 $0xFFFF9400  }
0x72: {  	_ =	swait.ge @!p0 [sflag:s21], $0x2400  }
0x73: {  	[sflag:s21] =	ssyncset.done @!p0 $0x0  }
0x74: {  	[sflag:s21] =	ssyncadd.s32 @!p0 $0xFFFFDC00;
	s21 =	simm.s32 $0x0  }
0x75: {  	v0 =	vld [tilespmem:s21+$0x8430]  }
0x76: {  	v1 =	vld [tilespmem:s21+$0x9030]  }
0x77: {  	v2 =	vld [tilespmem:s21+$0x8400]  }
0x78: {  	v3 =	vld [tilespmem:s21+$0x9C30]  }
0x79: {  	v4 =	vld [tilespmem:s21+$0x9000]  }
0x7a: {  	v5 =	vld [tilespmem:s21+$0xA830]  }
0x7b: {  	v6 =	vld [tilespmem:s21+$0x8410];
	v0 =	vadd.f32 v1, v0  }
0x7c: {  	v1 =	vld [tilespmem:s21+$0xB430]  }
0x7d: {  	v7 =	vld [tilespmem:s21+$0x9010];
	v0 =	vadd.f32 v3, v0  }
0x7e: {  	v8 =	vld [tilespmem:s21+$0x9020]  }
0x7f: {  	v9 =	vld [tilespmem:s21+$0x9C10];
	v0 =	vadd.f32 v5, v0  }
0x80: {  	v10 =	vld [tilespmem:s21+$0xA800]  }
0x81: {  	v11 =	vld [tilespmem:s21+$0xA810];
	v0 =	vadd.f32 v1, v0  }
0x82: {  	v12 =	vld [tilespmem:s21+$0xA820]  }
0x83: {  	v5 =	vld [tilespmem:s21+$0x9C00];
	v0 =	vmul.f32 $2.000000030e-01, v0  }
0x84: {  	v13 =	vld [tilespmem:s21+$0x7800]  }
0x85: {  	[tilespmem:s21+$0x10830] =	vst v0;
	v0 =	vld [tilespmem:s21+$0x6C00]  }
0x86: {  	v14 =	vld [tilespmem:s21+$0xC000];
	v2 =	vadd.f32 v4, v2  }
0x87: {  	v4 =	vld [tilespmem:s21+$0xB400]  }
0x88: {  	v15 =	vld [tilespmem:s21+$0x6C10];
	v2 =	vadd.f32 v5, v2  }
0x89: {  	v5 =	vld [tilespmem:s21+$0xCC00]  }
0x8a: {  	v61 =	vld [tilespmem:s21+$0x7810];
	v2 =	vadd.f32 v10, v2;
	v0 =	vadd.f32 v13, v0  }
0x8b: {  	v62 =	vld [tilespmem:s21+$0xB410]  }
0x8c: {  	v6 =	vadd.f32 v7, v6;
	v3 =	vld [tilespmem:s21+$0x8420];
	v2 =	vadd.f32 v4, v2;
	v0 =	vmul.f32 $5.000000000e-01, v0  }
0x8d: {  	v16 =	vld [tilespmem:s21+$0xCC10]  }
0x8e: {  	v6 =	vadd.f32 v9, v6;
	v1 =	vld [tilespmem:s21+$0x9C20];
	[tilespmem:s21+$0xFC00] =	vst v0;
	v0 =	vmul.f32 $2.000000030e-01, v2;
	v2 =	vadd.f32 v5, v14  }
0x8f: {  	v4 =	vld [tilespmem:s21+$0xC010]  }
0x90: {  	v7 =	vld [tilespmem:s21+$0x7820];
	[tilespmem:s21+$0x10800] =	vst v0;
	v0 =	vmul.f32 $5.000000000e-01, v2;
	v2 =	vadd.f32 v11, v6;
	v6 =	vadd.f32 v61, v15  }
0x91: {  	v3 =	vadd.f32 v8, v3;
	v5 =	vld [tilespmem:s21+$0x6C20]  }
0x92: {  	v63 =	vld [tilespmem:s21+$0xB420];
	v6 =	vmul.f32 $5.000000000e-01, v6  }
0x93: {  	v3 =	vadd.f32 v1, v3;
	[tilespmem:s21+$0x11400] =	vst v0;
	v8 =	vadd.f32 v62, v2;
	v0 =	vld [tilespmem:s21+$0xC020]  }
0x94: {  	v2 =	vld [tilespmem:s21+$0xCC20];
	[tilespmem:s21+$0xFC10] =	vst v6;
	v6 =	vadd.f32 v16, v4  }
0x95: {  	v1 =	vld [tilespmem:s21+$0x6C30];
	v3 =	vadd.f32 v12, v3;
	v8 =	vmul.f32 $2.000000030e-01, v8  }
0x96: {  	s31 =	sadd.s32 s20, s5;
	v7 =	vadd.f32 v7, v5;
	v4 =	vld [tilespmem:s21+$0x7830];
	v6 =	vmul.f32 $5.000000000e-01, v6  }
0x97: {  	s24 =	simm.s32 $0x100;
	s23 =	simm.s32 $0x0;
	s22 =	sadd.s32 $0x1, s31;
	v5 =	vadd.f32 v63, v3;
	v3 =	vld [tilespmem:s21+$0xC030];
	[tilespmem:s21+$0x10810] =	vst v8  }
.LBB2_5:
0x98: {  	s25 =	sshra.s32 s24, $0x2;
	[tilespmem:s21+$0x11410] =	vst v6;
	v6 =	vmul.f32 $5.000000000e-01, v7;
	v7 =	vld [tilespmem:s21+$0xCC30]  }
0x99: {  	s23 =	sadd.s32 $0x4, s23;
	v8 =	vld [tilespmem:s25+$0x8430];
	v5 =	vmul.f32 $2.000000030e-01, v5;
	v0 =	vadd.f32 v2, v0  }
0x9a: {  	p0 =	slt.u32 s23, $0xBC;
	v2 =	vld [tilespmem:s25+$0x9030];
	[tilespmem:s21+$0xFC20] =	vst v6  }
0x9b: {  	v6 =	vld [tilespmem:s25+$0x8400];
	v0 =	vmul.f32 $5.000000000e-01, v0;
	[tilespmem:s21+$0x10820] =	vst v5;
	v1 =	vadd.f32 v4, v1  }
0x9c: {  	v4 =	vld [tilespmem:s25+$0x9C30]  }
0x9d: {  	v5 =	vld [tilespmem:s25+$0x9000];
	[tilespmem:s21+$0x11420] =	vst v0;
	v0 =	vmul.f32 $5.000000000e-01, v1;
	v1 =	vadd.f32 v7, v3  }
0x9e: {  	v3 =	vld [tilespmem:s25+$0xA830]  }
0x9f: {  	v7 =	vld [tilespmem:s25+$0x8410];
	v2 =	vadd.f32 v2, v8;
	v1 =	vmul.f32 $5.000000000e-01, v1;
	[tilespmem:s21+$0xFC30] =	vst v0  }
0xa0: {  	v0 =	vld [tilespmem:s25+$0xB430]  }
0xa1: {  	v8 =	vld [tilespmem:s25+$0x9010];
	v2 =	vadd.f32 v4, v2;
	[tilespmem:s21+$0x11430] =	vst v1;
	s21 =	smov.u32 s25  }
0xa2: {  	v1 =	vadd.f32 v5, v6;
	v4 =	vld [tilespmem:s21+$0x8420]  }
0xa3: {  	v5 =	vld [tilespmem:s21+$0x9020];
	v2 =	vadd.f32 v3, v2  }
0xa4: {  	v3 =	vld [tilespmem:s21+$0x9C00]  }
0xa5: {  	v6 =	vld [tilespmem:s21+$0x9C10];
	v0 =	vadd.f32 v0, v2  }
0xa6: {  	v2 =	vadd.f32 v8, v7;
	v7 =	vld [tilespmem:s21+$0x9C20]  }
0xa7: {  	v8 =	vld [tilespmem:s21+$0xA800];
	v0 =	vmul.f32 $2.000000030e-01, v0  }
0xa8: {  	v9 =	vld [tilespmem:s21+$0xA810];
	v4 =	vadd.f32 v5, v4  }
0xa9: {  	v1 =	vadd.f32 v3, v1;
	v3 =	vld [tilespmem:s21+$0xA820];
	[tilespmem:s21+$0x10830] =	vst v0  }
0xaa: {  	v0 =	vld [tilespmem:s21+$0x6C00];
	v2 =	vadd.f32 v6, v2  }
0xab: {  	v5 =	vld [tilespmem:s21+$0x7800];
	v4 =	vadd.f32 v7, v4  }
0xac: {  	v6 =	vld [tilespmem:s21+$0xB400];
	v1 =	vadd.f32 v8, v1  }
0xad: {  	v7 =	vld [tilespmem:s21+$0xC000];
	v2 =	vadd.f32 v9, v2  }
0xae: {  	v8 =	vld [tilespmem:s21+$0xCC00];
	v3 =	vadd.f32 v3, v4  }
0xaf: {  	v4 =	vld [tilespmem:s21+$0x6C10]  }
0xb0: {  	v0 =	vadd.f32 v5, v0;
	v5 =	vld [tilespmem:s21+$0x7810]  }
0xb1: {  	v1 =	vadd.f32 v6, v1;
	v6 =	vld [tilespmem:s21+$0xB410]  }
0xb2: {  	v0 =	vmul.f32 $5.000000000e-01, v0;
	v9 =	vld [tilespmem:s21+$0xC010]  }
0xb3: {  	v1 =	vmul.f32 $2.000000030e-01, v1;
	v7 =	vadd.f32 v8, v7;
	v8 =	vld [tilespmem:s21+$0xCC10]  }
0xb4: {  	[tilespmem:s21+$0xFC00] =	vst v0;
	v10 =	vld [tilespmem:s21+$0x6C20]  }
0xb5: {  	v0 =	vmul.f32 $5.000000000e-01, v7;
	[tilespmem:s21+$0x10800] =	vst v1;
	v1 =	vadd.f32 v5, v4;
	v4 =	vld [tilespmem:s21+$0x7820]  }
0xb6: {  	v2 =	vadd.f32 v6, v2;
	v5 =	vld [tilespmem:s21+$0xB420]  }
.Ltmp3:
0xb7: {  	[tilespmem:s21+$0x11400] =	vst v0;
	v1 =	vmul.f32 $5.000000000e-01, v1;
	v0 =	vld [tilespmem:s21+$0xC020];
	(pc) =	sbr.rel @p0 .LBB2_5-.Ltmp3, $4  }
0xb8: {  	v7 =	vmul.f32 $2.000000030e-01, v2;
	v6 =	vadd.f32 v8, v9;
	v2 =	vld [tilespmem:s21+$0xCC20]  }
0xb9: {  	[tilespmem:s21+$0xFC10] =	vst v1;
	v1 =	vld [tilespmem:s21+$0x6C30]  }
0xba: {  	v6 =	vmul.f32 $5.000000000e-01, v6;
	[tilespmem:s21+$0x10810] =	vst v7;
	v7 =	vadd.f32 v4, v10;
	v4 =	vld [tilespmem:s21+$0x7830]  }
0xbb: {  	s24 =	sadd.s32 $0x100, s24;
	v5 =	vadd.f32 v5, v3;
	v3 =	vld [tilespmem:s21+$0xC030]  }
0xbc: {  	v61 =	vld [tilespmem:s21+$0xCC30];
	_ =	sdelay $0x2  }
0xbd: {  	v7 =	vmul.f32 $5.000000000e-01, v7;
	v0 =	vadd.f32 v2, v0  }
0xbe: {  	[tilespmem:s21+$0x11410] =	vst v6;
	v62 =	vmul.f32 $2.000000030e-01, v5;
	v1 =	vadd.f32 v4, v1  }
0xbf: {  	[tilespmem:s21+$0xFC20] =	vst v7;
	v0 =	vmul.f32 $5.000000000e-01, v0;
	v3 =	vadd.f32 v61, v3  }
.Ltmp4:
0xc0: {  	[tilespmem:s21+$0x10820] =	vst v62;
	v1 =	vmul.f32 $5.000000000e-01, v1;
	(pc) =	sbr.rel @p1 .LBB2_8-.Ltmp4, $4  }
0xc1: {  	s22 =	smul.u32 $0x480, s22;
	[tilespmem:s21+$0x11420] =	vst v0;
	v63 =	vmul.f32 $5.000000000e-01, v3  }
0xc2: {  	[tilespmem:s21+$0xFC30] =	vst v1  }
0xc3: {  	s31 =	sadd.s32 s4, s22;
	[tilespmem:s21+$0x11430] =	vst v63  }
0xc4: {  	[hbm4b:s31+s2] =	stream.linear.scatter [tilespmem:s15], [sflag:$0x4], $0x2400, $0x38;
	[tilespmem:$0x12000] =	vst v63  }
.Ltmp5:
0xc5: {  	s20 =	sadd.s32 s20, s9;
	(pc) =	sbr.rel .LBB2_2-.Ltmp5, $3  }
0xc6: {  	s20 =	smul.u32 $0xD80, s20;
	_ =	sdelay $0x1  }
0xc7: {  	s19 =	sadd.s32 $0x1, s19;
	s20 =	sadd.s32 s3, s20  }
0xc8: {  	[tilespmem:s11], [sflag:$0x2] =	stream.linear.gather [hbm4b:s20+s2], $0x6C00, $0x38;
	[tilespmem:$0x12000] =	vst v63  }
.LBB2_9:
0xc9: {  	_ =	sfence.sel $0x180000  }
0xca: {  	[bflag:$0x0] =	sbarrier.arrive $0xFFFF  }
0xcb: {  	p0 =	sne.s32 s1, $0x0;
	_ =	strace $0x9000004A  }
0xcc: {  	s0 =	sadd.s32 @!p0 $0x100000, s0;
	[bflag:$0x2] =	sbarrier.arrive $0xFFFF  }
0xcd: {  	[sflag:s0] =	ssyncadd.tile.s32 @!p0 $0x1;
	_ =	shalt  }
.Lfunc_end2:
_tile_overlayer_lowered:
.L_overlay_start_2:
0xce: {  	(tag) =	ssettag $0x2  }
0xcf: {  	s0 =	rddreg [dreg:$0x0];
	s2 =	stileid.u32  }
0xd0: {  	s1 =	rddreg [dreg:$0x1];
	p0 =	sne.s32 s2, $0x0  }
0xd1: {  	s3 =	rddreg [dreg:$0x2];
	[bflag:$0x3] =	sbarrier.arrive $0xFFFF;
	s2 =	simm.s32 @!p0 $0x1C05  }
0xd2: {  	[timem:s3], [sflag:s2] =	dma.local @!p0 [hbm:s0], s1  }
0xd3: {  	s0 =	simm.s32 @!p0 $0x5  }
0xd4: {  	_ =	swait.ge @!p0 [sflag:s0], s1  }
0xd5: {  	s1 =	ssub.s32 @!p0 $0x0, s1;
	[sflag:s0] =	ssyncset.done @!p0 $0x0  }
0xd6: {  	[sflag:s0] =	ssyncadd.s32 @!p0 s1  }
0xd7: {  	[bflag:$0x3] =	sbarrier.arrive $0xFFFF  }
0xd8: {  	_ =	shalt  }

// kernel: sparse-core-data-format-call.cloned.1.call-start
scs
called_computation_lowered:
.L_overlay_start_0:
0x0: {  	s2 =	sld [smem:$0x3FD9]  }
0x1: {  	s3 =	sld [smem:$0x3FFE];
	_ =	sdelay $0x1  }
0x2: {  	s1 =	srdreg.scid  }
0x3: {  	s0 =	sand.u32 $0x1, s1  }
0x4: {  	s18 =	sshll.u32 s0, $0xA;
	s2 =	sadd.s32 s3, s2  }
0x5: {  	s2 =	sadd.s32 s2, s18  }
0x6: {  	[smem:$0x3FC7] =	sst s2  }
0x7: {  	_ = 	snop  }
0x8: {  	s2 =	sld [smem:$0x3FC9];
	(tm) =	ssettm $0x1  }
0x9: {  	s19 =	sld [smem:$0x3FFB];
	_ =	sdelay $0x3  }
0xa: {  	_ =	strace s19  }
0xb: {  	s3 =	sld [smem:$0x3FFC];
	_ =	sdelay $0x3  }
0xc: {  	_ =	strace s3  }
0xd: {  	s3 =	sld [smem:$0x3FFD];
	_ =	sdelay $0x3  }
0xe: {  	_ =	strace s3  }
0xf: {  	_ =	strace $0x8FFFFFFF  }
0x10: {  	s20 =	sld [smem:$0x3FDB];
	_ =	sdelay $0x1  }
0x11: {  	s4 =	simm.s32 $_scs_section_size  }
0x12: {  	s5 =	simm.s32 $_size__tile_overlayer_lowered;
	s6 =	simm.s32 $_tile_overlayer_lowered  }
0x13: {  	s23 =	simm.s32 $0x1BFF;
	s22 =	sshll.u32 s6, $0x1;
	s3 =	sadd.s32 s4, s20  }
0x14: {  	s7 =	simm.s32 $0x0;
	s21 =	sshll.u32 s5, $0x1;
	s5 =	sadd.s32 s22, s3  }
0x15: {  	[timem:s7], [sflag:s23] =	dma.local [hbm:s5], s21  }
0x16: {  	_ =	swait.ge [sflag:s23], s21  }
0x17: {  	s4 =	ssub.s32 $0x0, s21;
	[sflag:s23] =	ssyncset.done $0x0  }
0x18: {  	[sflag:s23] =	ssyncadd.s32 s4;
	_ =	sdelay $0x1  }
0x19: {  	s24 =	simm.s32 $0x1B8B  }
0x1a: {  	_ =	swait.ge [sflag:s24], $0x1  }
0x1b: {  	[sflag:s24] =	ssyncset.done $0x0  }
0x1c: {  	s26 =	simm.s32 $0x1B8E;
	s25 =	sld [smem:$0x3FFE];
	[sflag:s24] =	ssyncadd.s32 $0xFFFFFFFF  }
0x1d: {  	s27 =	simm.s32 $execute0_lowered;
	[smem:$0x3FD2] =	sst s26  }
0x1e: {  	s5 =	sshll.u32 s27, $0x1;
	_ =	strace $0x80000046;
	[dreg:$0x1] =	wrdreg $0xFFFFFFFF  }
0x1f: {  	s28 =	simm.s32 $_size_execute0_lowered;
	s3 =	sadd.s32 s3, s5;
	[dreg:$0x0] =	wrdreg $0x0  }
0x20: {  	s5 =	sshll.u32 s28, $0x1;
	[dreg:$0x2] =	wrdreg s3  }
0x21: {  	[dreg:$0x3] =	wrdreg s5  }
0x22: {  	[dreg:$0x4] =	wrdreg $0xC0  }
0x23: {  	_ =	task [dreg:s7], $0x5FFFF  }
0x24: {  	[dreg:$0x1] =	wrdreg $0xFFFFFFFF  }
0x25: {  	[dreg:$0x0] =	wrdreg $0x60  }
0x26: {  	[dreg:$0x2] =	wrdreg s2  }
0x27: {  	[dreg:$0x3] =	wrdreg s25  }
0x28: {  	[dreg:$0x4] =	wrdreg $0x9  }
0x29: {  	_ =	task.clear_ibuf [dreg:s7], $0x5FFFF;
	_ =	strace $0x90000046  }
0x2a: {  	s29 =	simm.s32 $0x9;
	_ =	strace $0x80000048  }
0x2b: {  	_ =	swait.ge [sflag:s29], $0x1  }
0x2c: {  	[sflag:s29] =	ssyncadd.s32 $0xFFFFFFFF  }
0x2d: {  	_ =	strace $0x90000048  }
0x2e: {  	_ =	sfence  }
0x2f: {  	s30 =	sld [smem:$0x0];
	_ =	sdelay $0x2  }
0x30: {  	s31 =	sshll.u32 s1, $0xD;
	s1 =	sshrl.u32 s1, $0x2  }
0x31: {  	s3 =	sand.u32 $0x4000, s31;
	s1 =	sadd.s32 s1, s30  }
0x32: {  	s0 =	sor.u32 s3, s0;
	s1 =	sshll.u32 s1, $0x11  }
0x33: {  	s0 =	sor.u32 s1, s0  }
0x34: {  	s0 =	sadd.s32 $0x8F2B, s0  }
0x35: {  	[sflag:s0] =	ssyncadd.remote.s32 $0x1  }
0x36: {  	_ =	sfence.sel $0xFFFF  }
0x37: {  	[dreg:$0x0] =	wrdreg $0xFFFFFFFF;
	(pc) =	sbr.abs _section_cstart, $3  }
0x38: {  	[dreg:$0x1] =	wrdreg $0xFFFFFFFF  }
0x39: {  	_ =	task.clear_ibuf [dreg:s7], $0x2FFFF;
	_ =	strace $0x9FFFFFFF  }
0x3a: {  	(tm) =	ssettm $0x7FFFFFFF  }
0x3b: {  	_ =	shalt  }
tec
execute0_lowered:
.L_overlay_start_1:
0x0: {  	(tag) =	ssettag $0x1  }
0x1: {  	s0 =	srdreg.scid  }
0x2: {  	s1 =	sshll.u32 s0, $0x4  }
0x3: {  	s0 =	stileid.u32;
	s1 =	sand.u32 $0x10, s1  }
0x4: {  	s3 =	rddreg [dreg:$0x0];
	s1 =	sor.u32 s0, s1  }
0x5: {  	s6 =	rddreg [dreg:$0x1];
	s7 =	simm.s32 $0x2;
	s2 =	sshll.u32 s1, $0x1  }
0x6: {  	s14 =	simm.s32 $0x0;
	s8 =	simm.s32 $0x400;
	s1 =	ssub.s32 $0x480, s2  }
0x7: {  	s9 =	simm.s32 $0xC00;
	s10 =	simm.s32 $0x0;
	s4 =	sand.u32 $0x3E, s1  }
0x8: {  	s15 =	simm.s32 $0x0;
	p0 =	sne.s32 s4, $0x0;
	s4 =	simm.s32 $0x1  }
.Ltmp0:
0x9: {  	s5 =	sshrl.u32 s1, $0x6;
	s4 =	simm.s32 @!p0 $0x0;
	(pc) =	sbr.rel .LBB1_1-.Ltmp0, $4  }
0xa: {  	s11 =	simm.s32 $0x0;
	s1 =	rddreg [dreg:$0x2];
	s5 =	sadd.s32 s4, s5  }
0xb: {  	_ =	strace $0x80000047;
	s4 =	simm.s32 $0x1;
	s5 =	smul.u32 $0x3, s5  }
0xc: {  	s13 =	simm.s32 $0x0;
	s6 =	sadd.s32 $0x800, s6;
	[sflag:s4] =	ssyncpa.u1 $0x0  }
0xd: {  	s12 =	smov.u32 s2;
	[sflag:s7] =	ssyncpa.u1 $0x0;
	s7 =	sadd.s32 $0x1, s5  }
.LBB1_9:
0xe: {  	s16 =	sadd.s32 $0x8, s11  }
0xf: {  	s14 =	sadd.s32 $0x40, s12;
	s18 =	smov.u32 s12;
	p1 =	sgt.s32 s16, $0x17  }
0x10: {  	s18 =	smov.u32 @p1 s14  }
0x11: {  	s16 =	simm.s32 @p1 $0x0;
	p1 =	sgt.s32 s18, $0x47F  }
0x12: {  	s18 =	smov.u32 @p1 s2;
	p1 =	sne.s32 s13, s7  }
.Ltmp1:
0x13: {  	p0 =	slt.u32 s13, $0x2;
	(pc) =	sbr.rel @!p1 .LBB1_10-.Ltmp1, $4  }
0x14: {  	s17 =	simm.s32 @!p0 $0x2  }
0x15: {  	s15 =	smov.u32 s12;
	s10 =	sadd.s32 $0x4000, s10;
	_ =	swait.ge @!p0 [sflag:s17], $0x4000  }
0x16: {  	s14 =	smov.u32 s11;
	[sflag:s17] =	ssyncset.done @!p0 $0x0;
	s11 =	smov.u32 s16  }
0x17: {  	s13 =	sadd.s32 $0x1, s13;
	[sflag:s17] =	ssyncadd.s32 @!p0 $0xFFFFC000;
	s12 =	smov.u32 s18  }
.LBB1_1:
0x18: {  	p0 =	sge.u32 s13, s5  }
0x19: {  	s17 =	smul.u32 @!p0 $0xC00, s12  }
0x1a: {  	s31 =	sadd.s32 $0xFFFFFFFF, s13;
	s16 =	sxor.u32 @!p0 $0xFFFFFFFF, s13;
	s18 =	sshll.u32 @!p0 s11, $0x7  }
0x1b: {  	s19 =	simm.s32 @!p0 $0x6000;
	s16 =	sshll.u32 @!p0 s16, $0xE;
	s17 =	sadd.s32 @!p0 s3, s17  }
0x1c: {  	s16 =	sand.u32 @!p0 $0x4000, s16;
	s17 =	sadd.s32 @!p0 s18, s17;
	s18 =	simm.s32 @!p0 $0x2000  }
0x1d: {  	[tilespmem:s16], [sflag:$0x1] =	stream.strided.gather @!p0 [hbm4b:s17+s18], $0x4000, s19, s18, $0x38;
	[tilespmem:$0x10000] =	vst v63  }
0x1e: {  	p0 =	sge.u32 s31, s5  }
.Ltmp2:
0x1f: {  	_ = 	snop;
	(pc) =	sbr.rel @p0 .LBB1_9-.Ltmp2, $1  }
0x20: {  	_ =	sdelay $0x3  }
0x21: {  	s16 =	sshll.u32 s10, $0x2  }
0x22: {  	_ =	swait.ge [sflag:s4], $0x4000;
	s17 =	sshll.u32 s13, $0xE;
	s19 =	simm.s32 $0x0  }
0x23: {  	p1 =	por $0x1, $0x1;
	s16 =	sand.u32 $0x10000, s16;
	[sflag:s4] =	ssyncset.done $0x0  }
0x24: {  	s17 =	sand.u32 $0x4000, s17;
	s18 =	sshrl.u32 s16, $0x2;
	[sflag:s4] =	ssyncadd.s32 $0xFFFFC000  }
0x25: {  	s16 =	sor.u32 $0x8000, s17;
	s17 =	sadd.s32 $0x8040, s18;
	s18 =	sadd.s32 $0x40, s18  }
.LBB1_3:
0x26: {  	s19 =	sshll.u32 s19, $0x2  }
0x27: {  	p0 =	por p1, p1;
	s20 =	sshra.s32 s19, $0x2  }
0x28: {  	s21 =	simm.s32 $0x0;
	s19 =	sadd.s32 s20, s17;
	s20 =	sadd.s32 s20, s18  }
.LBB1_4:
0x29: {  	v0 =	vmov s20;
	_ =	sdelay $0x3  }
0x2a: {  	s23 =	simm.s32 $0x0  }
0x2b: {  	v6 =	vld.idx.msk [tilespmem:v0+s23+$0x30 ss:$0x1], $0xffff  }
0x2c: {  	v7 =	vld.idx.msk [tilespmem:v0+s23+$0xFFFFFFC0 ss:$0x1], $0xffff  }
0x2d: {  	v5 =	vld.idx.msk [tilespmem:v0+s23+$0xFFFFFFD0 ss:$0x1], $0xffff  }
0x2e: {  	v4 =	vld.idx.msk [tilespmem:v0+s23+$0xFFFFFFE0 ss:$0x1], $0xffff  }
0x2f: {  	v3 =	vld.idx.msk [tilespmem:v0+s23+$0xFFFFFFF0 ss:$0x1], $0xffff  }
0x30: {  	v1 =	vld.idx.msk [tilespmem:v0+s23+$0x0 ss:$0x1], $0xffff  }
0x31: {  	v2 =	vld.idx.msk [tilespmem:v0+s23+$0x10 ss:$0x1], $0xffff;
	[tilespmem:s19+$0x30] =	vst v6  }
0x32: {  	s22 =	simm.s32 $0x80;
	s24 =	simm.s32 $0x400;
	[tilespmem:s19+$0xFFFFFFC0] =	vst v7;
	v6 =	vld.idx.msk [tilespmem:v0+s23+$0x20 ss:$0x1], $0xffff;
	s23 =	smov.u32 s19  }
.LBB1_5:
0x33: {  	p1 =	sne.s32 s24, $0xE00;
	v7 =	vld.idx.msk [tilespmem:v0+s22+$0x30 ss:$0x1], $0xffff;
	[tilespmem:s23+$0xFFFFFFD0] =	vst v5  }
0x34: {  	v8 =	vld.idx.msk [tilespmem:v0+s22+$0xFFFFFFC0 ss:$0x1], $0xffff;
	[tilespmem:s23+$0xFFFFFFE0] =	vst v4  }
0x35: {  	v5 =	vld.idx.msk [tilespmem:v0+s22+$0xFFFFFFD0 ss:$0x1], $0xffff;
	[tilespmem:s23+$0xFFFFFFF0] =	vst v3  }
.Ltmp3:
0x36: {  	v4 =	vld.idx.msk [tilespmem:v0+s22+$0xFFFFFFE0 ss:$0x1], $0xffff;
	[tilespmem:s23+$0x0] =	vst v1;
	(pc) =	sbr.rel @p1 .LBB1_5-.Ltmp3, $4  }
0x37: {  	v3 =	vld.idx.msk [tilespmem:v0+s22+$0xFFFFFFF0 ss:$0x1], $0xffff;
	[tilespmem:s23+$0x10] =	vst v2  }
0x38: {  	v1 =	vld.idx.msk [tilespmem:v0+s22+$0x0 ss:$0x1], $0xffff;
	[tilespmem:s23+$0x20] =	vst v6;
	s23 =	sadd.s32 $0x400, s23  }
0x39: {  	v2 =	vld.idx.msk [tilespmem:v0+s22+$0x10 ss:$0x1], $0xffff;
	[tilespmem:s23+$0x30] =	vst v7  }
0x3a: {  	[tilespmem:s23+$0xFFFFFFC0] =	vst v8;
	v6 =	vld.idx.msk [tilespmem:v0+s22+$0x20 ss:$0x1], $0xffff;
	s22 =	sshra.s32 s24, $0x2;
	s24 =	sadd.s32 $0x200, s24  }
0x3b: {  	_ =	sdelay $0x2  }
0x3c: {  	[tilespmem:s23+$0xFFFFFFD0] =	vst v5  }
0x3d: {  	v56 =	vld.idx.msk [tilespmem:v0+s22+$0x30 ss:$0x1], $0xffff;
	[tilespmem:s23+$0xFFFFFFE0] =	vst v4  }
0x3e: {  	v57 =	vld.idx.msk [tilespmem:v0+s22+$0xFFFFFFC0 ss:$0x1], $0xffff;
	[tilespmem:s23+$0xFFFFFFF0] =	vst v3  }
0x3f: {  	v58 =	vld.idx.msk [tilespmem:v0+s22+$0xFFFFFFD0 ss:$0x1], $0xffff;
	[tilespmem:s23+$0x0] =	vst v1  }
0x40: {  	v59 =	vld.idx.msk [tilespmem:v0+s22+$0xFFFFFFE0 ss:$0x1], $0xffff;
	[tilespmem:s23+$0x10] =	vst v2  }
0x41: {  	v60 =	vld.idx.msk [tilespmem:v0+s22+$0xFFFFFFF0 ss:$0x1], $0xffff;
	s31 =	sadd.s32 $0x400, s23;
	[tilespmem:s23+$0x20] =	vst v6  }
0x42: {  	v61 =	vld.idx.msk [tilespmem:v0+s22+$0x0 ss:$0x1], $0xffff;
	[tilespmem:s31+$0x30] =	vst v56  }
0x43: {  	v62 =	vld.idx.msk [tilespmem:v0+s22+$0x10 ss:$0x1], $0xffff;
	s21 =	sadd.s32 $0x1, s21;
	[tilespmem:s31+$0xFFFFFFC0] =	vst v57  }
0x44: {  	v63 =	vld.idx.msk [tilespmem:v0+s22+$0x20 ss:$0x1], $0xffff;
	p1 =	sne.s32 s21, $0x8;
	[tilespmem:s31+$0xFFFFFFD0] =	vst v58  }
.Ltmp4:
0x45: {  	[tilespmem:s31+$0xFFFFFFE0] =	vst v59;
	(pc) =	sbr.rel @p1 .LBB1_4-.Ltmp4, $4  }
0x46: {  	[tilespmem:s31+$0xFFFFFFF0] =	vst v60  }
0x47: {  	[tilespmem:s31+$0x0] =	vst v61  }
0x48: {  	[tilespmem:s31+$0x10] =	vst v62  }
0x49: {  	s19 =	sadd.s32 $0x80, s19;
	s20 =	sadd.s32 $0x400, s20;
	[tilespmem:s31+$0x20] =	vst v63  }
.Ltmp5:
0x4a: {  	(pc) =	sbr.rel @p0 .LBB1_3-.Ltmp5, $2  }
0x4b: {  	_ =	sdelay $0x2  }
0x4c: {  	s19 =	simm.s32 $0x2000;
	p1 =	por $0x0, $0x0  }
0x4d: {  	s14 =	sand.u32 $0x1FFFFFF, s14  }
0x4e: {  	s17 =	smulhi.u32 $0xAAAAAAB, s14  }
0x4f: {  	s15 =	smul.u32 $0xC00, s15  }
0x50: {  	s17 =	smul.u32 $0x18, s17  }
.Ltmp6:
0x51: {  	_ = 	snop;
	(pc) =	sbr.rel .LBB1_9-.Ltmp6, $4  }
0x52: {  	s14 =	ssub.s32 s14, s17  }
0x53: {  	s15 =	sadd.s32 s6, s15;
	s14 =	sshll.u32 s14, $0x4  }
0x54: {  	s14 =	sadd.s32 s14, s15  }
0x55: {  	[hbm4b:s14+s8] =	stream.strided.scatter [tilespmem:s16], [sflag:$0x2], $0x4000, s9, s8, $0x38;
	[tilespmem:$0x10000] =	vst v63  }
.LBB1_10:
0x56: {  	_ =	sfence.sel $0x180000  }
0x57: {  	s2 =	simm.s32 $0x1;
	[bflag:$0x0] =	sbarrier.arrive $0xFFFF  }
0x58: {  	s31 =	simm.s32 $0x2;
	[sflag:s2] =	ssyncpa.u1 $0x1  }
0x59: {  	[sflag:s31] =	ssyncpa.u1 $0x1  }
0x5a: {  	p0 =	sne.s32 s0, $0x0;
	_ =	strace $0x90000047  }
0x5b: {  	s0 =	sadd.s32 @!p0 $0x100000, s1;
	[bflag:$0x2] =	sbarrier.arrive $0xFFFF  }
0x5c: {  	[sflag:s0] =	ssyncadd.tile.s32 @!p0 $0x1;
	_ =	shalt  }
.Lfunc_end1:
_tile_overlayer_lowered:
.L_overlay_start_2:
0x5d: {  	(tag) =	ssettag $0x2  }
0x5e: {  	s0 =	rddreg [dreg:$0x0];
	s2 =	stileid.u32  }
0x5f: {  	s1 =	rddreg [dreg:$0x1];
	p0 =	sne.s32 s2, $0x0  }
0x60: {  	s3 =	rddreg [dreg:$0x2];
	[bflag:$0x3] =	sbarrier.arrive $0xFFFF;
	s2 =	simm.s32 @!p0 $0x1C01  }
0x61: {  	[timem:s3], [sflag:s2] =	dma.local @!p0 [hbm:s0], s1  }
0x62: {  	s0 =	simm.s32 @!p0 $0x1  }
0x63: {  	_ =	swait.ge @!p0 [sflag:s0], s1  }
0x64: {  	s1 =	ssub.s32 @!p0 $0x0, s1;
	[sflag:s0] =	ssyncset.done @!p0 $0x0  }
0x65: {  	[sflag:s0] =	ssyncadd.s32 @!p0 s1  }
0x66: {  	[bflag:$0x3] =	sbarrier.arrive $0xFFFF  }
0x67: {  	_ =	shalt  }

</sc_bundles>
